<compile_context>
chip_gen: v7x
topology: tpu7x:2x2x1
jax: 0.10.2.dev20260603
libtpu: 0.0.44.dev20260713+nightly
codegen_flags: <defaults>
</compile_context>

<pallas_src>
import functools

import jax
import jax.numpy as jnp
from jax import lax
from jax.experimental import pallas as pl
from jax.experimental.pallas import tpu as pltpu
from jax.experimental.pallas import tpu_sc as plsc

BATCH = 16384
HID = 64
HID2 = 2 * HID
N_LOOKUPS = 3
TOTAL = N_LOOKUPS * BATCH
TOTAL2 = 2 * TOTAL
NPAIR = 500000

_INFO = plsc.get_sparse_core_info()
_NC = _INFO.num_cores
_NS = _INFO.num_subcores
_NW = _NC * _NS
_CHUNK = 128
_B_PER_W = TOTAL2 // _NW
_N_CHUNKS = _B_PER_W // _CHUNK
_CH_IT = 3
_ROWS_IT = _CH_IT * _CHUNK
_N_IT = _N_CHUNKS // _CH_IT


def _make_gather():
    mesh = plsc.VectorSubcoreMesh(core_axis_name="c", subcore_axis_name="s")

    @functools.partial(
        pl.kernel,
        mesh=mesh,
        compiler_params=pltpu.CompilerParams(use_tc_tiling_on_sc=True),
        out_type=jax.ShapeDtypeStruct((TOTAL2, HID2), jnp.float32),
        scratch_types=[
            pltpu.VMEM((_N_CHUNKS, _CHUNK), jnp.int32),
            pltpu.VMEM((_ROWS_IT, HID2), jnp.float32),
            pltpu.VMEM((_ROWS_IT, HID2), jnp.float32),
            pltpu.SemaphoreType.DMA,
            pltpu.SemaphoreType.DMA,
            pltpu.SemaphoreType.DMA,
            pltpu.SemaphoreType.DMA,
        ],
    )
    def gather_kernel(table_hbm, idx_hbm, out_hbm, idx_v, rows_a, rows_b,
                      sg_a, sg_b, sw_a, sw_b):
        wid = lax.axis_index("s") * _NC + lax.axis_index("c")
        base = wid * _B_PER_W
        bufs = (rows_a, rows_b)
        sg = (sg_a, sg_b)
        sw = (sw_a, sw_b)
        pltpu.sync_copy(idx_hbm.at[wid], idx_v)
        writes = [None, None]
        for h in range(_N_IT):
            p = h % 2
            if writes[p] is not None:
                writes[p].wait()
            gs = []
            for j in range(_CH_IT):
                gs.append(
                    pltpu.async_copy(
                        table_hbm.at[idx_v.at[h * _CH_IT + j]],
                        bufs[p].at[pl.ds(j * _CHUNK, _CHUNK)],
                        sg[p],
                    )
                )
            for g in gs:
                g.wait()
            writes[p] = pltpu.async_copy(
                bufs[p],
                out_hbm.at[pl.ds(base + h * _ROWS_IT, _ROWS_IT)],
                sw[p],
            )
        writes[0].wait()
        writes[1].wait()

    return gather_kernel


_gather = _make_gather()

_NB = 8
_BM = BATCH // _NB


def _sel(g_ref, par_ref):
    g = g_ref[...]
    par = par_ref[...]
    return jnp.where(par > 0.5, g[:, HID:HID2], g[:, 0:HID])


def _dense_body(p0_ref, p1_ref, p2_ref, r_ref, i_ref, u_ref,
                q0_ref, q1_ref, q2_ref, qr_ref, qi_ref, qu_ref,
                w_ref, b_ref, eye_ref, p_ref, h_ref):
    eye = eye_ref[...]
    dn = (((1,), (1,)), ((), ()))
    hi = lax.Precision.HIGHEST
    for j, (ref, qref) in enumerate(
            ((p0_ref, q0_ref), (p1_ref, q1_ref), (p2_ref, q2_ref))):
        p_ref[j] = lax.dot_general(eye, _sel(ref, qref), dn, precision=hi,
                                   preferred_element_type=jnp.float32)
    w = w_ref[...]
    acc = lax.dot_general(w[:, 0:HID], _sel(r_ref, qr_ref), dn,
                          precision=hi, preferred_element_type=jnp.float32)
    acc += lax.dot_general(w[:, HID:2 * HID], _sel(i_ref, qi_ref), dn,
                           precision=hi, preferred_element_type=jnp.float32)
    acc += lax.dot_general(w[:, 2 * HID:3 * HID], _sel(u_ref, qu_ref), dn,
                           precision=hi, preferred_element_type=jnp.float32)
    h_ref[...] = jnp.tanh(acc + b_ref[...])


def kernel(userId, itemId, rate, table, W, b):
    flat_ctx = jnp.concatenate(
        [rate.astype(jnp.int32), itemId.astype(jnp.int32),
         userId.astype(jnp.int32)]
    )
    flat_p = flat_ctx.reshape(BATCH, N_LOOKUPS).T.reshape(TOTAL)
    idx_all = jnp.concatenate([flat_ctx, flat_p])
    pair_idx = lax.shift_right_logical(idx_all, 1).reshape(
        _NW, _N_CHUNKS, _CHUNK)
    parity = lax.convert_element_type(
        jnp.bitwise_and(idx_all, 1), jnp.float32).reshape(TOTAL2, 1)

    table_pairs = table.reshape(NPAIR, HID2)
    gathered = _gather(table_pairs, pair_idx)

    nb3 = N_LOOKUPS * _NB
    g_specs = [
        pl.BlockSpec((_BM, HID2), lambda i, o=o: (i + o, 0))
        for o in (nb3, nb3 + _NB, nb3 + 2 * _NB, 0, _NB, 2 * _NB)
    ]
    q_specs = [
        pl.BlockSpec((_BM, 1), lambda i, o=o: (i + o, 0))
        for o in (nb3, nb3 + _NB, nb3 + 2 * _NB, 0, _NB, 2 * _NB)
    ]
    P, H = pl.pallas_call(
        _dense_body,
        grid=(_NB,),
        in_specs=g_specs + q_specs + [
            pl.BlockSpec((HID, N_LOOKUPS * HID), lambda i: (0, 0)),
            pl.BlockSpec((HID, 1), lambda i: (0, 0)),
            pl.BlockSpec((HID, HID), lambda i: (0, 0)),
        ],
        out_specs=[
            pl.BlockSpec((N_LOOKUPS, HID, _BM), lambda i: (0, 0, i)),
            pl.BlockSpec((HID, _BM), lambda i: (0, i)),
        ],
        out_shape=[
            jax.ShapeDtypeStruct((N_LOOKUPS, HID, BATCH), jnp.float32),
            jax.ShapeDtypeStruct((HID, BATCH), jnp.float32),
        ],
    )(gathered, gathered, gathered, gathered, gathered, gathered,
      parity, parity, parity, parity, parity, parity,
      W, b.reshape(HID, 1), jnp.eye(HID, dtype=jnp.float32))

    output_list = jnp.transpose(P, (2, 0, 1))
    hidden = H.T
    return (output_list, hidden)

# --- scband reference (transcript-rebuilt; emitter-appended) ---
"""Pipeline reference for scband-item-encoder-13950053778106 (READ-ONLY COPY).

The authoritative reference and input builder live on the scoring server;
editing this copy changes nothing except your own understanding.
"""

import jax, jax.numpy as jnp
import numpy as np

EMBEDDING_COUNT = 1000000
HIDDEN_SIZE = 64
LSTM_LAYER = 1
BATCH = 16384


def setup_inputs(seed: int = 0) -> dict:
    key = jax.random.key(seed)
    k1, k2, k3, k4, k5, k6 = jax.random.split(key, 6)
    userId = jax.random.randint(k1, (BATCH,), 0, EMBEDDING_COUNT, dtype=jnp.int64) if jax.config.jax_enable_x64 else jax.random.randint(k1, (BATCH,), 0, EMBEDDING_COUNT, dtype=jnp.int32)
    itemId = jax.random.randint(k2, (BATCH,), 0, EMBEDDING_COUNT, dtype=userId.dtype)
    rate = jax.random.randint(k3, (BATCH,), 0, EMBEDDING_COUNT, dtype=userId.dtype)
    # learned params (match torch nn.Embedding / nn.Linear init scales)
    table = jax.random.normal(k4, (EMBEDDING_COUNT, HIDDEN_SIZE), dtype=jnp.float32)
    fan_in = 3 * HIDDEN_SIZE
    bound = 1.0 / np.sqrt(fan_in)
    W = jax.random.uniform(k5, (LSTM_LAYER * HIDDEN_SIZE, 3 * HIDDEN_SIZE), minval=-bound, maxval=bound, dtype=jnp.float32)
    b = jax.random.uniform(k6, (LSTM_LAYER * HIDDEN_SIZE,), minval=-bound, maxval=bound, dtype=jnp.float32)
    return {"userId": userId, "itemId": itemId, "rate": rate, "table": table, "W": W, "b": b}


def reference(userId, itemId, rate, table, W, b):
    rate_embed = jnp.take(table, rate, axis=0)
    item_embed = jnp.take(table, itemId, axis=0)
    user_embed = jnp.take(table, userId, axis=0)
    context = jnp.concatenate((rate_embed, item_embed, user_embed), axis=1)
    hidden = jnp.tanh(context @ W.T + b)
    output = jnp.concatenate((rate_embed, item_embed, user_embed), axis=0)
    output_list = output[:, None, :]
    output_list = output_list.reshape(rate_embed.shape[0], 3, -1)
    return (output_list, hidden)

if __name__ == "__main__":
    import jax
    _d = setup_inputs()
    print(jax.jit(kernel)(*tuple(_d.values())))

</pallas_src>

<mosaic_0001>
#map = affine_map<(d0, d1) -> (0, 0)>
#map1 = affine_map<(d0, d1) -> (0, 0, 0)>
module attributes {stable_mosaic.version = 14 : i64} {
  func.func @gather_kernel(%arg0: i32, %arg1: i32, %arg2: memref<500000x128xf32, #tpu.memory_space<hbm>>, %arg3: memref<32x24x128xi32, #tpu.memory_space<hbm>>, %arg4: memref<98304x128xf32, #tpu.memory_space<hbm>>, %arg5: memref<24x128xi32, #tpu.memory_space<vmem>>, %arg6: memref<384x128xf32, #tpu.memory_space<vmem>>, %arg7: memref<384x128xf32, #tpu.memory_space<vmem>>, %arg8: memref<!tpu.dma_semaphore, #tpu.memory_space<semaphore_mem>>, %arg9: memref<!tpu.dma_semaphore, #tpu.memory_space<semaphore_mem>>, %arg10: memref<!tpu.dma_semaphore, #tpu.memory_space<semaphore_mem>>, %arg11: memref<!tpu.dma_semaphore, #tpu.memory_space<semaphore_mem>>) attributes {dimension_semantics = [#tpu.dimension_semantics<core_parallel>, #tpu.dimension_semantics<subcore_parallel>], iteration_bounds = array<i64: 2, 16>, scalar_prefetch = 0 : i64, scratch_operands = 7 : i64, tpu.core_type = #tpu.core_type<sc_vector_subcore>, window_params = [{transform_indices = #map}, {transform_indices = #map1}, {transform_indices = #map}]} {
    %mul3A = arith.constant 2 : i32
    %mul3A_0 = arith.muli %arg1, %mul3A : i32
    %add3A = arith.addi %mul3A_0, %arg0 : i32
    %mul3A_1 = arith.constant 3072 : i32
    %mul3A_2 = arith.muli %add3A, %mul3A_1 : i32
    "tpu.region"() ({
      %run_scoped3A = tpu.sem_alloc : memref<!tpu.dma_semaphore, #tpu.memory_space<semaphore_mem>>
      %dma_start3A_561 = arith.constant 0 : i32
      %dma_start3A_562 = arith.constant 0 : i32
      %dma_start3A_563 = tpu.memref_slice %arg3[%add3A, %dma_start3A_561, %dma_start3A_562] : memref<32x24x128xi32, #tpu.memory_space<hbm>> -> memref<1x24x128xi32, #tpu.memory_space<hbm>>
      %dma_start3A_564 = tpu.memref_squeeze %dma_start3A_563 : memref<1x24x128xi32, #tpu.memory_space<hbm>> -> memref<24x128xi32, #tpu.memory_space<hbm>>
      %dma_start3A_565 = arith.constant 0 : i32
      %dma_start3A_566 = arith.constant 0 : i32
      %dma_start3A_567 = tpu.memref_slice %arg3[%add3A, %dma_start3A_565, %dma_start3A_566] : memref<32x24x128xi32, #tpu.memory_space<hbm>> -> memref<1x24x128xi32, #tpu.memory_space<hbm>>
      %dma_start3A_568 = tpu.memref_squeeze %dma_start3A_567 : memref<1x24x128xi32, #tpu.memory_space<hbm>> -> memref<24x128xi32, #tpu.memory_space<hbm>>
      tpu.enqueue_dma source(%dma_start3A_568 : memref<24x128xi32, #tpu.memory_space<hbm>>) target(%arg5 : memref<24x128xi32, #tpu.memory_space<vmem>>) target_semaphore(%run_scoped3A : memref<!tpu.dma_semaphore, #tpu.memory_space<semaphore_mem>>)
      %dma_wait3A_569 = arith.constant 0 : i32
      %dma_wait3A_570 = arith.constant 0 : i32
      %dma_wait3A_571 = tpu.memref_slice %arg3[%add3A, %dma_wait3A_569, %dma_wait3A_570] : memref<32x24x128xi32, #tpu.memory_space<hbm>> -> memref<1x24x128xi32, #tpu.memory_space<hbm>>
      %dma_wait3A_572 = tpu.memref_squeeze %dma_wait3A_571 : memref<1x24x128xi32, #tpu.memory_space<hbm>> -> memref<24x128xi32, #tpu.memory_space<hbm>>
      %dma_wait3A_573 = arith.constant 0 : i32
      %dma_wait3A_574 = arith.constant 0 : i32
      %dma_wait3A_575 = tpu.memref_slice %arg3[%add3A, %dma_wait3A_573, %dma_wait3A_574] : memref<32x24x128xi32, #tpu.memory_space<hbm>> -> memref<1x24x128xi32, #tpu.memory_space<hbm>>
      %dma_wait3A_576 = tpu.memref_squeeze %dma_wait3A_575 : memref<1x24x128xi32, #tpu.memory_space<hbm>> -> memref<24x128xi32, #tpu.memory_space<hbm>>
      tpu.wait_dma2 semaphore(%run_scoped3A : memref<!tpu.dma_semaphore, #tpu.memory_space<semaphore_mem>>) src(%dma_wait3A_576 : memref<24x128xi32, #tpu.memory_space<hbm>>) dst(%arg5 : memref<24x128xi32, #tpu.memory_space<vmem>>)
      tpu.yield
    }) : () -> ()
    %dma_start3A = arith.constant 0 : i32
    %dma_start3A_3 = arith.constant 0 : i32
    %dma_start3A_4 = arith.constant 0 : i32
    %dma_start3A_5 = tpu.memref_slice %arg6[%dma_start3A_3, %dma_start3A_4] : memref<384x128xf32, #tpu.memory_space<vmem>> -> memref<128x128xf32, #tpu.memory_space<vmem>>
    %dma_start3A_6 = arith.constant 0 : i32
    %dma_start3A_7 = tpu.memref_slice %arg5[%dma_start3A, %dma_start3A_6] : memref<24x128xi32, #tpu.memory_space<vmem>> -> memref<1x128xi32, #tpu.memory_space<vmem>>
    %dma_start3A_8 = tpu.memref_squeeze %dma_start3A_7 : memref<1x128xi32, #tpu.memory_space<vmem>> -> memref<128xi32, #tpu.memory_space<vmem>>
    %dma_start3A_9 = arith.constant 0 : i32
    %dma_start3A_10 = arith.constant 0 : i32
    %dma_start3A_11 = tpu.memref_slice %arg2[%dma_start3A_9, %dma_start3A_10] : memref<500000x128xf32, #tpu.memory_space<hbm>> -> memref<500000x128xf32, #tpu.memory_space<hbm>>
    tpu.enqueue_indirect_dma source(%dma_start3A_11 : memref<500000x128xf32, #tpu.memory_space<hbm>>) target(%dma_start3A_5 : memref<128x128xf32, #tpu.memory_space<vmem>>) offsets(%dma_start3A_8 : memref<128xi32, #tpu.memory_space<vmem>>) semaphore(%arg8 : memref<!tpu.dma_semaphore, #tpu.memory_space<semaphore_mem>>)
    %dma_start3A_12 = arith.constant 1 : i32
    %dma_start3A_13 = arith.constant 128 : i32
    %dma_start3A_14 = arith.constant 0 : i32
    %dma_start3A_15 = tpu.memref_slice %arg6[%dma_start3A_13, %dma_start3A_14] : memref<384x128xf32, #tpu.memory_space<vmem>> -> memref<128x128xf32, #tpu.memory_space<vmem>>
    %dma_start3A_16 = arith.constant 0 : i32
    %dma_start3A_17 = tpu.memref_slice %arg5[%dma_start3A_12, %dma_start3A_16] : memref<24x128xi32, #tpu.memory_space<vmem>> -> memref<1x128xi32, #tpu.memory_space<vmem>>
    %dma_start3A_18 = tpu.memref_squeeze %dma_start3A_17 : memref<1x128xi32, #tpu.memory_space<vmem>> -> memref<128xi32, #tpu.memory_space<vmem>>
    %dma_start3A_19 = arith.constant 0 : i32
    %dma_start3A_20 = arith.constant 0 : i32
    %dma_start3A_21 = tpu.memref_slice %arg2[%dma_start3A_19, %dma_start3A_20] : memref<500000x128xf32, #tpu.memory_space<hbm>> -> memref<500000x128xf32, #tpu.memory_space<hbm>>
    tpu.enqueue_indirect_dma source(%dma_start3A_21 : memref<500000x128xf32, #tpu.memory_space<hbm>>) target(%dma_start3A_15 : memref<128x128xf32, #tpu.memory_space<vmem>>) offsets(%dma_start3A_18 : memref<128xi32, #tpu.memory_space<vmem>>) semaphore(%arg8 : memref<!tpu.dma_semaphore, #tpu.memory_space<semaphore_mem>>)
    %dma_start3A_22 = arith.constant 2 : i32
    %dma_start3A_23 = arith.constant 256 : i32
    %dma_start3A_24 = arith.constant 0 : i32
    %dma_start3A_25 = tpu.memref_slice %arg6[%dma_start3A_23, %dma_start3A_24] : memref<384x128xf32, #tpu.memory_space<vmem>> -> memref<128x128xf32, #tpu.memory_space<vmem>>
    %dma_start3A_26 = arith.constant 0 : i32
    %dma_start3A_27 = tpu.memref_slice %arg5[%dma_start3A_22, %dma_start3A_26] : memref<24x128xi32, #tpu.memory_space<vmem>> -> memref<1x128xi32, #tpu.memory_space<vmem>>
    %dma_start3A_28 = tpu.memref_squeeze %dma_start3A_27 : memref<1x128xi32, #tpu.memory_space<vmem>> -> memref<128xi32, #tpu.memory_space<vmem>>
    %dma_start3A_29 = arith.constant 0 : i32
    %dma_start3A_30 = arith.constant 0 : i32
    %dma_start3A_31 = tpu.memref_slice %arg2[%dma_start3A_29, %dma_start3A_30] : memref<500000x128xf32, #tpu.memory_space<hbm>> -> memref<500000x128xf32, #tpu.memory_space<hbm>>
    tpu.enqueue_indirect_dma source(%dma_start3A_31 : memref<500000x128xf32, #tpu.memory_space<hbm>>) target(%dma_start3A_25 : memref<128x128xf32, #tpu.memory_space<vmem>>) offsets(%dma_start3A_28 : memref<128xi32, #tpu.memory_space<vmem>>) semaphore(%arg8 : memref<!tpu.dma_semaphore, #tpu.memory_space<semaphore_mem>>)
    %dma_wait3A = arith.constant 0 : i32
    %dma_wait3A_32 = arith.constant 0 : i32
    %dma_wait3A_33 = arith.constant 0 : i32
    %dma_wait3A_34 = tpu.memref_slice %arg6[%dma_wait3A_32, %dma_wait3A_33] : memref<384x128xf32, #tpu.memory_space<vmem>> -> memref<128x128xf32, #tpu.memory_space<vmem>>
    %dma_wait3A_35 = arith.constant 0 : i32
    %dma_wait3A_36 = tpu.memref_slice %arg5[%dma_wait3A, %dma_wait3A_35] : memref<24x128xi32, #tpu.memory_space<vmem>> -> memref<1x128xi32, #tpu.memory_space<vmem>>
    %dma_wait3A_37 = tpu.memref_squeeze %dma_wait3A_36 : memref<1x128xi32, #tpu.memory_space<vmem>> -> memref<128xi32, #tpu.memory_space<vmem>>
    %dma_wait3A_38 = arith.constant 0 : i32
    %dma_wait3A_39 = arith.constant 0 : i32
    %dma_wait3A_40 = tpu.memref_slice %arg2[%dma_wait3A_38, %dma_wait3A_39] : memref<500000x128xf32, #tpu.memory_space<hbm>> -> memref<500000x128xf32, #tpu.memory_space<hbm>>
    tpu.wait_indirect_dma semaphore(%arg8 : memref<!tpu.dma_semaphore, #tpu.memory_space<semaphore_mem>>) src(%dma_wait3A_40 : memref<500000x128xf32, #tpu.memory_space<hbm>>) dst(%dma_wait3A_34 : memref<128x128xf32, #tpu.memory_space<vmem>>)
    %dma_wait3A_41 = arith.constant 1 : i32
    %dma_wait3A_42 = arith.constant 128 : i32
    %dma_wait3A_43 = arith.constant 0 : i32
    %dma_wait3A_44 = tpu.memref_slice %arg6[%dma_wait3A_42, %dma_wait3A_43] : memref<384x128xf32, #tpu.memory_space<vmem>> -> memref<128x128xf32, #tpu.memory_space<vmem>>
    %dma_wait3A_45 = arith.constant 0 : i32
    %dma_wait3A_46 = tpu.memref_slice %arg5[%dma_wait3A_41, %dma_wait3A_45] : memref<24x128xi32, #tpu.memory_space<vmem>> -> memref<1x128xi32, #tpu.memory_space<vmem>>
    %dma_wait3A_47 = tpu.memref_squeeze %dma_wait3A_46 : memref<1x128xi32, #tpu.memory_space<vmem>> -> memref<128xi32, #tpu.memory_space<vmem>>
    %dma_wait3A_48 = arith.constant 0 : i32
    %dma_wait3A_49 = arith.constant 0 : i32
    %dma_wait3A_50 = tpu.memref_slice %arg2[%dma_wait3A_48, %dma_wait3A_49] : memref<500000x128xf32, #tpu.memory_space<hbm>> -> memref<500000x128xf32, #tpu.memory_space<hbm>>
    tpu.wait_indirect_dma semaphore(%arg8 : memref<!tpu.dma_semaphore, #tpu.memory_space<semaphore_mem>>) src(%dma_wait3A_50 : memref<500000x128xf32, #tpu.memory_space<hbm>>) dst(%dma_wait3A_44 : memref<128x128xf32, #tpu.memory_space<vmem>>)
    %dma_wait3A_51 = arith.constant 2 : i32
    %dma_wait3A_52 = arith.constant 256 : i32
    %dma_wait3A_53 = arith.constant 0 : i32
    %dma_wait3A_54 = tpu.memref_slice %arg6[%dma_wait3A_52, %dma_wait3A_53] : memref<384x128xf32, #tpu.memory_space<vmem>> -> memref<128x128xf32, #tpu.memory_space<vmem>>
    %dma_wait3A_55 = arith.constant 0 : i32
    %dma_wait3A_56 = tpu.memref_slice %arg5[%dma_wait3A_51, %dma_wait3A_55] : memref<24x128xi32, #tpu.memory_space<vmem>> -> memref<1x128xi32, #tpu.memory_space<vmem>>
    %dma_wait3A_57 = tpu.memref_squeeze %dma_wait3A_56 : memref<1x128xi32, #tpu.memory_space<vmem>> -> memref<128xi32, #tpu.memory_space<vmem>>
    %dma_wait3A_58 = arith.constant 0 : i32
    %dma_wait3A_59 = arith.constant 0 : i32
    %dma_wait3A_60 = tpu.memref_slice %arg2[%dma_wait3A_58, %dma_wait3A_59] : memref<500000x128xf32, #tpu.memory_space<hbm>> -> memref<500000x128xf32, #tpu.memory_space<hbm>>
    tpu.wait_indirect_dma semaphore(%arg8 : memref<!tpu.dma_semaphore, #tpu.memory_space<semaphore_mem>>) src(%dma_wait3A_60 : memref<500000x128xf32, #tpu.memory_space<hbm>>) dst(%dma_wait3A_54 : memref<128x128xf32, #tpu.memory_space<vmem>>)
    %add3A_61 = arith.constant 0 : i32
    %add3A_62 = arith.addi %mul3A_2, %add3A_61 : i32
    %dma_start3A_63 = arith.constant 0 : i32
    %dma_start3A_64 = tpu.memref_slice %arg4[%add3A_62, %dma_start3A_63] : memref<98304x128xf32, #tpu.memory_space<hbm>> -> memref<384x128xf32, #tpu.memory_space<hbm>>
    %dma_start3A_65 = arith.constant 0 : i32
    %dma_start3A_66 = tpu.memref_slice %arg4[%add3A_62, %dma_start3A_65] : memref<98304x128xf32, #tpu.memory_space<hbm>> -> memref<384x128xf32, #tpu.memory_space<hbm>>
    tpu.enqueue_dma source(%arg6 : memref<384x128xf32, #tpu.memory_space<vmem>>) target(%dma_start3A_66 : memref<384x128xf32, #tpu.memory_space<hbm>>) target_semaphore(%arg10 : memref<!tpu.dma_semaphore, #tpu.memory_space<semaphore_mem>>)
    %dma_start3A_67 = arith.constant 3 : i32
    %dma_start3A_68 = arith.constant 0 : i32
    %dma_start3A_69 = arith.constant 0 : i32
    %dma_start3A_70 = tpu.memref_slice %arg7[%dma_start3A_68, %dma_start3A_69] : memref<384x128xf32, #tpu.memory_space<vmem>> -> memref<128x128xf32, #tpu.memory_space<vmem>>
    %dma_start3A_71 = arith.constant 0 : i32
    %dma_start3A_72 = tpu.memref_slice %arg5[%dma_start3A_67, %dma_start3A_71] : memref<24x128xi32, #tpu.memory_space<vmem>> -> memref<1x128xi32, #tpu.memory_space<vmem>>
    %dma_start3A_73 = tpu.memref_squeeze %dma_start3A_72 : memref<1x128xi32, #tpu.memory_space<vmem>> -> memref<128xi32, #tpu.memory_space<vmem>>
    %dma_start3A_74 = arith.constant 0 : i32
    %dma_start3A_75 = arith.constant 0 : i32
    %dma_start3A_76 = tpu.memref_slice %arg2[%dma_start3A_74, %dma_start3A_75] : memref<500000x128xf32, #tpu.memory_space<hbm>> -> memref<500000x128xf32, #tpu.memory_space<hbm>>
    tpu.enqueue_indirect_dma source(%dma_start3A_76 : memref<500000x128xf32, #tpu.memory_space<hbm>>) target(%dma_start3A_70 : memref<128x128xf32, #tpu.memory_space<vmem>>) offsets(%dma_start3A_73 : memref<128xi32, #tpu.memory_space<vmem>>) semaphore(%arg9 : memref<!tpu.dma_semaphore, #tpu.memory_space<semaphore_mem>>)
    %dma_start3A_77 = arith.constant 4 : i32
    %dma_start3A_78 = arith.constant 128 : i32
    %dma_start3A_79 = arith.constant 0 : i32
    %dma_start3A_80 = tpu.memref_slice %arg7[%dma_start3A_78, %dma_start3A_79] : memref<384x128xf32, #tpu.memory_space<vmem>> -> memref<128x128xf32, #tpu.memory_space<vmem>>
    %dma_start3A_81 = arith.constant 0 : i32
    %dma_start3A_82 = tpu.memref_slice %arg5[%dma_start3A_77, %dma_start3A_81] : memref<24x128xi32, #tpu.memory_space<vmem>> -> memref<1x128xi32, #tpu.memory_space<vmem>>
    %dma_start3A_83 = tpu.memref_squeeze %dma_start3A_82 : memref<1x128xi32, #tpu.memory_space<vmem>> -> memref<128xi32, #tpu.memory_space<vmem>>
    %dma_start3A_84 = arith.constant 0 : i32
    %dma_start3A_85 = arith.constant 0 : i32
    %dma_start3A_86 = tpu.memref_slice %arg2[%dma_start3A_84, %dma_start3A_85] : memref<500000x128xf32, #tpu.memory_space<hbm>> -> memref<500000x128xf32, #tpu.memory_space<hbm>>
    tpu.enqueue_indirect_dma source(%dma_start3A_86 : memref<500000x128xf32, #tpu.memory_space<hbm>>) target(%dma_start3A_80 : memref<128x128xf32, #tpu.memory_space<vmem>>) offsets(%dma_start3A_83 : memref<128xi32, #tpu.memory_space<vmem>>) semaphore(%arg9 : memref<!tpu.dma_semaphore, #tpu.memory_space<semaphore_mem>>)
    %dma_start3A_87 = arith.constant 5 : i32
    %dma_start3A_88 = arith.constant 256 : i32
    %dma_start3A_89 = arith.constant 0 : i32
    %dma_start3A_90 = tpu.memref_slice %arg7[%dma_start3A_88, %dma_start3A_89] : memref<384x128xf32, #tpu.memory_space<vmem>> -> memref<128x128xf32, #tpu.memory_space<vmem>>
    %dma_start3A_91 = arith.constant 0 : i32
    %dma_start3A_92 = tpu.memref_slice %arg5[%dma_start3A_87, %dma_start3A_91] : memref<24x128xi32, #tpu.memory_space<vmem>> -> memref<1x128xi32, #tpu.memory_space<vmem>>
    %dma_start3A_93 = tpu.memref_squeeze %dma_start3A_92 : memref<1x128xi32, #tpu.memory_space<vmem>> -> memref<128xi32, #tpu.memory_space<vmem>>
    %dma_start3A_94 = arith.constant 0 : i32
    %dma_start3A_95 = arith.constant 0 : i32
    %dma_start3A_96 = tpu.memref_slice %arg2[%dma_start3A_94, %dma_start3A_95] : memref<500000x128xf32, #tpu.memory_space<hbm>> -> memref<500000x128xf32, #tpu.memory_space<hbm>>
    tpu.enqueue_indirect_dma source(%dma_start3A_96 : memref<500000x128xf32, #tpu.memory_space<hbm>>) target(%dma_start3A_90 : memref<128x128xf32, #tpu.memory_space<vmem>>) offsets(%dma_start3A_93 : memref<128xi32, #tpu.memory_space<vmem>>) semaphore(%arg9 : memref<!tpu.dma_semaphore, #tpu.memory_space<semaphore_mem>>)
    %dma_wait3A_97 = arith.constant 3 : i32
    %dma_wait3A_98 = arith.constant 0 : i32
    %dma_wait3A_99 = arith.constant 0 : i32
    %dma_wait3A_100 = tpu.memref_slice %arg7[%dma_wait3A_98, %dma_wait3A_99] : memref<384x128xf32, #tpu.memory_space<vmem>> -> memref<128x128xf32, #tpu.memory_space<vmem>>
    %dma_wait3A_101 = arith.constant 0 : i32
    %dma_wait3A_102 = tpu.memref_slice %arg5[%dma_wait3A_97, %dma_wait3A_101] : memref<24x128xi32, #tpu.memory_space<vmem>> -> memref<1x128xi32, #tpu.memory_space<vmem>>
    %dma_wait3A_103 = tpu.memref_squeeze %dma_wait3A_102 : memref<1x128xi32, #tpu.memory_space<vmem>> -> memref<128xi32, #tpu.memory_space<vmem>>
    %dma_wait3A_104 = arith.constant 0 : i32
    %dma_wait3A_105 = arith.constant 0 : i32
    %dma_wait3A_106 = tpu.memref_slice %arg2[%dma_wait3A_104, %dma_wait3A_105] : memref<500000x128xf32, #tpu.memory_space<hbm>> -> memref<500000x128xf32, #tpu.memory_space<hbm>>
    tpu.wait_indirect_dma semaphore(%arg9 : memref<!tpu.dma_semaphore, #tpu.memory_space<semaphore_mem>>) src(%dma_wait3A_106 : memref<500000x128xf32, #tpu.memory_space<hbm>>) dst(%dma_wait3A_100 : memref<128x128xf32, #tpu.memory_space<vmem>>)
    %dma_wait3A_107 = arith.constant 4 : i32
    %dma_wait3A_108 = arith.constant 128 : i32
    %dma_wait3A_109 = arith.constant 0 : i32
    %dma_wait3A_110 = tpu.memref_slice %arg7[%dma_wait3A_108, %dma_wait3A_109] : memref<384x128xf32, #tpu.memory_space<vmem>> -> memref<128x128xf32, #tpu.memory_space<vmem>>
    %dma_wait3A_111 = arith.constant 0 : i32
    %dma_wait3A_112 = tpu.memref_slice %arg5[%dma_wait3A_107, %dma_wait3A_111] : memref<24x128xi32, #tpu.memory_space<vmem>> -> memref<1x128xi32, #tpu.memory_space<vmem>>
    %dma_wait3A_113 = tpu.memref_squeeze %dma_wait3A_112 : memref<1x128xi32, #tpu.memory_space<vmem>> -> memref<128xi32, #tpu.memory_space<vmem>>
    %dma_wait3A_114 = arith.constant 0 : i32
    %dma_wait3A_115 = arith.constant 0 : i32
    %dma_wait3A_116 = tpu.memref_slice %arg2[%dma_wait3A_114, %dma_wait3A_115] : memref<500000x128xf32, #tpu.memory_space<hbm>> -> memref<500000x128xf32, #tpu.memory_space<hbm>>
    tpu.wait_indirect_dma semaphore(%arg9 : memref<!tpu.dma_semaphore, #tpu.memory_space<semaphore_mem>>) src(%dma_wait3A_116 : memref<500000x128xf32, #tpu.memory_space<hbm>>) dst(%dma_wait3A_110 : memref<128x128xf32, #tpu.memory_space<vmem>>)
    %dma_wait3A_117 = arith.constant 5 : i32
    %dma_wait3A_118 = arith.constant 256 : i32
    %dma_wait3A_119 = arith.constant 0 : i32
    %dma_wait3A_120 = tpu.memref_slice %arg7[%dma_wait3A_118, %dma_wait3A_119] : memref<384x128xf32, #tpu.memory_space<vmem>> -> memref<128x128xf32, #tpu.memory_space<vmem>>
    %dma_wait3A_121 = arith.constant 0 : i32
    %dma_wait3A_122 = tpu.memref_slice %arg5[%dma_wait3A_117, %dma_wait3A_121] : memref<24x128xi32, #tpu.memory_space<vmem>> -> memref<1x128xi32, #tpu.memory_space<vmem>>
    %dma_wait3A_123 = tpu.memref_squeeze %dma_wait3A_122 : memref<1x128xi32, #tpu.memory_space<vmem>> -> memref<128xi32, #tpu.memory_space<vmem>>
    %dma_wait3A_124 = arith.constant 0 : i32
    %dma_wait3A_125 = arith.constant 0 : i32
    %dma_wait3A_126 = tpu.memref_slice %arg2[%dma_wait3A_124, %dma_wait3A_125] : memref<500000x128xf32, #tpu.memory_space<hbm>> -> memref<500000x128xf32, #tpu.memory_space<hbm>>
    tpu.wait_indirect_dma semaphore(%arg9 : memref<!tpu.dma_semaphore, #tpu.memory_space<semaphore_mem>>) src(%dma_wait3A_126 : memref<500000x128xf32, #tpu.memory_space<hbm>>) dst(%dma_wait3A_120 : memref<128x128xf32, #tpu.memory_space<vmem>>)
    %add3A_127 = arith.constant 384 : i32
    %add3A_128 = arith.addi %mul3A_2, %add3A_127 : i32
    %dma_start3A_129 = arith.constant 0 : i32
    %dma_start3A_130 = tpu.memref_slice %arg4[%add3A_128, %dma_start3A_129] : memref<98304x128xf32, #tpu.memory_space<hbm>> -> memref<384x128xf32, #tpu.memory_space<hbm>>
    %dma_start3A_131 = arith.constant 0 : i32
    %dma_start3A_132 = tpu.memref_slice %arg4[%add3A_128, %dma_start3A_131] : memref<98304x128xf32, #tpu.memory_space<hbm>> -> memref<384x128xf32, #tpu.memory_space<hbm>>
    tpu.enqueue_dma source(%arg7 : memref<384x128xf32, #tpu.memory_space<vmem>>) target(%dma_start3A_132 : memref<384x128xf32, #tpu.memory_space<hbm>>) target_semaphore(%arg11 : memref<!tpu.dma_semaphore, #tpu.memory_space<semaphore_mem>>)
    %dma_wait3A_133 = arith.constant 0 : i32
    %dma_wait3A_134 = tpu.memref_slice %arg4[%add3A_62, %dma_wait3A_133] : memref<98304x128xf32, #tpu.memory_space<hbm>> -> memref<384x128xf32, #tpu.memory_space<hbm>>
    %dma_wait3A_135 = arith.constant 0 : i32
    %dma_wait3A_136 = tpu.memref_slice %arg4[%add3A_62, %dma_wait3A_135] : memref<98304x128xf32, #tpu.memory_space<hbm>> -> memref<384x128xf32, #tpu.memory_space<hbm>>
    tpu.wait_dma2 semaphore(%arg10 : memref<!tpu.dma_semaphore, #tpu.memory_space<semaphore_mem>>) src(%arg6 : memref<384x128xf32, #tpu.memory_space<vmem>>) dst(%dma_wait3A_136 : memref<384x128xf32, #tpu.memory_space<hbm>>)
    %dma_start3A_137 = arith.constant 6 : i32
    %dma_start3A_138 = arith.constant 0 : i32
    %dma_start3A_139 = arith.constant 0 : i32
    %dma_start3A_140 = tpu.memref_slice %arg6[%dma_start3A_138, %dma_start3A_139] : memref<384x128xf32, #tpu.memory_space<vmem>> -> memref<128x128xf32, #tpu.memory_space<vmem>>
    %dma_start3A_141 = arith.constant 0 : i32
    %dma_start3A_142 = tpu.memref_slice %arg5[%dma_start3A_137, %dma_start3A_141] : memref<24x128xi32, #tpu.memory_space<vmem>> -> memref<1x128xi32, #tpu.memory_space<vmem>>
    %dma_start3A_143 = tpu.memref_squeeze %dma_start3A_142 : memref<1x128xi32, #tpu.memory_space<vmem>> -> memref<128xi32, #tpu.memory_space<vmem>>
    %dma_start3A_144 = arith.constant 0 : i32
    %dma_start3A_145 = arith.constant 0 : i32
    %dma_start3A_146 = tpu.memref_slice %arg2[%dma_start3A_144, %dma_start3A_145] : memref<500000x128xf32, #tpu.memory_space<hbm>> -> memref<500000x128xf32, #tpu.memory_space<hbm>>
    tpu.enqueue_indirect_dma source(%dma_start3A_146 : memref<500000x128xf32, #tpu.memory_space<hbm>>) target(%dma_start3A_140 : memref<128x128xf32, #tpu.memory_space<vmem>>) offsets(%dma_start3A_143 : memref<128xi32, #tpu.memory_space<vmem>>) semaphore(%arg8 : memref<!tpu.dma_semaphore, #tpu.memory_space<semaphore_mem>>)
    %dma_start3A_147 = arith.constant 7 : i32
    %dma_start3A_148 = arith.constant 128 : i32
    %dma_start3A_149 = arith.constant 0 : i32
    %dma_start3A_150 = tpu.memref_slice %arg6[%dma_start3A_148, %dma_start3A_149] : memref<384x128xf32, #tpu.memory_space<vmem>> -> memref<128x128xf32, #tpu.memory_space<vmem>>
    %dma_start3A_151 = arith.constant 0 : i32
    %dma_start3A_152 = tpu.memref_slice %arg5[%dma_start3A_147, %dma_start3A_151] : memref<24x128xi32, #tpu.memory_space<vmem>> -> memref<1x128xi32, #tpu.memory_space<vmem>>
    %dma_start3A_153 = tpu.memref_squeeze %dma_start3A_152 : memref<1x128xi32, #tpu.memory_space<vmem>> -> memref<128xi32, #tpu.memory_space<vmem>>
    %dma_start3A_154 = arith.constant 0 : i32
    %dma_start3A_155 = arith.constant 0 : i32
    %dma_start3A_156 = tpu.memref_slice %arg2[%dma_start3A_154, %dma_start3A_155] : memref<500000x128xf32, #tpu.memory_space<hbm>> -> memref<500000x128xf32, #tpu.memory_space<hbm>>
    tpu.enqueue_indirect_dma source(%dma_start3A_156 : memref<500000x128xf32, #tpu.memory_space<hbm>>) target(%dma_start3A_150 : memref<128x128xf32, #tpu.memory_space<vmem>>) offsets(%dma_start3A_153 : memref<128xi32, #tpu.memory_space<vmem>>) semaphore(%arg8 : memref<!tpu.dma_semaphore, #tpu.memory_space<semaphore_mem>>)
    %dma_start3A_157 = arith.constant 8 : i32
    %dma_start3A_158 = arith.constant 256 : i32
    %dma_start3A_159 = arith.constant 0 : i32
    %dma_start3A_160 = tpu.memref_slice %arg6[%dma_start3A_158, %dma_start3A_159] : memref<384x128xf32, #tpu.memory_space<vmem>> -> memref<128x128xf32, #tpu.memory_space<vmem>>
    %dma_start3A_161 = arith.constant 0 : i32
    %dma_start3A_162 = tpu.memref_slice %arg5[%dma_start3A_157, %dma_start3A_161] : memref<24x128xi32, #tpu.memory_space<vmem>> -> memref<1x128xi32, #tpu.memory_space<vmem>>
    %dma_start3A_163 = tpu.memref_squeeze %dma_start3A_162 : memref<1x128xi32, #tpu.memory_space<vmem>> -> memref<128xi32, #tpu.memory_space<vmem>>
    %dma_start3A_164 = arith.constant 0 : i32
    %dma_start3A_165 = arith.constant 0 : i32
    %dma_start3A_166 = tpu.memref_slice %arg2[%dma_start3A_164, %dma_start3A_165] : memref<500000x128xf32, #tpu.memory_space<hbm>> -> memref<500000x128xf32, #tpu.memory_space<hbm>>
    tpu.enqueue_indirect_dma source(%dma_start3A_166 : memref<500000x128xf32, #tpu.memory_space<hbm>>) target(%dma_start3A_160 : memref<128x128xf32, #tpu.memory_space<vmem>>) offsets(%dma_start3A_163 : memref<128xi32, #tpu.memory_space<vmem>>) semaphore(%arg8 : memref<!tpu.dma_semaphore, #tpu.memory_space<semaphore_mem>>)
    %dma_wait3A_167 = arith.constant 6 : i32
    %dma_wait3A_168 = arith.constant 0 : i32
    %dma_wait3A_169 = arith.constant 0 : i32
    %dma_wait3A_170 = tpu.memref_slice %arg6[%dma_wait3A_168, %dma_wait3A_169] : memref<384x128xf32, #tpu.memory_space<vmem>> -> memref<128x128xf32, #tpu.memory_space<vmem>>
    %dma_wait3A_171 = arith.constant 0 : i32
    %dma_wait3A_172 = tpu.memref_slice %arg5[%dma_wait3A_167, %dma_wait3A_171] : memref<24x128xi32, #tpu.memory_space<vmem>> -> memref<1x128xi32, #tpu.memory_space<vmem>>
    %dma_wait3A_173 = tpu.memref_squeeze %dma_wait3A_172 : memref<1x128xi32, #tpu.memory_space<vmem>> -> memref<128xi32, #tpu.memory_space<vmem>>
    %dma_wait3A_174 = arith.constant 0 : i32
    %dma_wait3A_175 = arith.constant 0 : i32
    %dma_wait3A_176 = tpu.memref_slice %arg2[%dma_wait3A_174, %dma_wait3A_175] : memref<500000x128xf32, #tpu.memory_space<hbm>> -> memref<500000x128xf32, #tpu.memory_space<hbm>>
    tpu.wait_indirect_dma semaphore(%arg8 : memref<!tpu.dma_semaphore, #tpu.memory_space<semaphore_mem>>) src(%dma_wait3A_176 : memref<500000x128xf32, #tpu.memory_space<hbm>>) dst(%dma_wait3A_170 : memref<128x128xf32, #tpu.memory_space<vmem>>)
    %dma_wait3A_177 = arith.constant 7 : i32
    %dma_wait3A_178 = arith.constant 128 : i32
    %dma_wait3A_179 = arith.constant 0 : i32
    %dma_wait3A_180 = tpu.memref_slice %arg6[%dma_wait3A_178, %dma_wait3A_179] : memref<384x128xf32, #tpu.memory_space<vmem>> -> memref<128x128xf32, #tpu.memory_space<vmem>>
    %dma_wait3A_181 = arith.constant 0 : i32
    %dma_wait3A_182 = tpu.memref_slice %arg5[%dma_wait3A_177, %dma_wait3A_181] : memref<24x128xi32, #tpu.memory_space<vmem>> -> memref<1x128xi32, #tpu.memory_space<vmem>>
    %dma_wait3A_183 = tpu.memref_squeeze %dma_wait3A_182 : memref<1x128xi32, #tpu.memory_space<vmem>> -> memref<128xi32, #tpu.memory_space<vmem>>
    %dma_wait3A_184 = arith.constant 0 : i32
    %dma_wait3A_185 = arith.constant 0 : i32
    %dma_wait3A_186 = tpu.memref_slice %arg2[%dma_wait3A_184, %dma_wait3A_185] : memref<500000x128xf32, #tpu.memory_space<hbm>> -> memref<500000x128xf32, #tpu.memory_space<hbm>>
    tpu.wait_indirect_dma semaphore(%arg8 : memref<!tpu.dma_semaphore, #tpu.memory_space<semaphore_mem>>) src(%dma_wait3A_186 : memref<500000x128xf32, #tpu.memory_space<hbm>>) dst(%dma_wait3A_180 : memref<128x128xf32, #tpu.memory_space<vmem>>)
    %dma_wait3A_187 = arith.constant 8 : i32
    %dma_wait3A_188 = arith.constant 256 : i32
    %dma_wait3A_189 = arith.constant 0 : i32
    %dma_wait3A_190 = tpu.memref_slice %arg6[%dma_wait3A_188, %dma_wait3A_189] : memref<384x128xf32, #tpu.memory_space<vmem>> -> memref<128x128xf32, #tpu.memory_space<vmem>>
    %dma_wait3A_191 = arith.constant 0 : i32
    %dma_wait3A_192 = tpu.memref_slice %arg5[%dma_wait3A_187, %dma_wait3A_191] : memref<24x128xi32, #tpu.memory_space<vmem>> -> memref<1x128xi32, #tpu.memory_space<vmem>>
    %dma_wait3A_193 = tpu.memref_squeeze %dma_wait3A_192 : memref<1x128xi32, #tpu.memory_space<vmem>> -> memref<128xi32, #tpu.memory_space<vmem>>
    %dma_wait3A_194 = arith.constant 0 : i32
    %dma_wait3A_195 = arith.constant 0 : i32
    %dma_wait3A_196 = tpu.memref_slice %arg2[%dma_wait3A_194, %dma_wait3A_195] : memref<500000x128xf32, #tpu.memory_space<hbm>> -> memref<500000x128xf32, #tpu.memory_space<hbm>>
    tpu.wait_indirect_dma semaphore(%arg8 : memref<!tpu.dma_semaphore, #tpu.memory_space<semaphore_mem>>) src(%dma_wait3A_196 : memref<500000x128xf32, #tpu.memory_space<hbm>>) dst(%dma_wait3A_190 : memref<128x128xf32, #tpu.memory_space<vmem>>)
    %add3A_197 = arith.constant 768 : i32
    %add3A_198 = arith.addi %mul3A_2, %add3A_197 : i32
    %dma_start3A_199 = arith.constant 0 : i32
    %dma_start3A_200 = tpu.memref_slice %arg4[%add3A_198, %dma_start3A_199] : memref<98304x128xf32, #tpu.memory_space<hbm>> -> memref<384x128xf32, #tpu.memory_space<hbm>>
    %dma_start3A_201 = arith.constant 0 : i32
    %dma_start3A_202 = tpu.memref_slice %arg4[%add3A_198, %dma_start3A_201] : memref<98304x128xf32, #tpu.memory_space<hbm>> -> memref<384x128xf32, #tpu.memory_space<hbm>>
    tpu.enqueue_dma source(%arg6 : memref<384x128xf32, #tpu.memory_space<vmem>>) target(%dma_start3A_202 : memref<384x128xf32, #tpu.memory_space<hbm>>) target_semaphore(%arg10 : memref<!tpu.dma_semaphore, #tpu.memory_space<semaphore_mem>>)
    %dma_wait3A_203 = arith.constant 0 : i32
    %dma_wait3A_204 = tpu.memref_slice %arg4[%add3A_128, %dma_wait3A_203] : memref<98304x128xf32, #tpu.memory_space<hbm>> -> memref<384x128xf32, #tpu.memory_space<hbm>>
    %dma_wait3A_205 = arith.constant 0 : i32
    %dma_wait3A_206 = tpu.memref_slice %arg4[%add3A_128, %dma_wait3A_205] : memref<98304x128xf32, #tpu.memory_space<hbm>> -> memref<384x128xf32, #tpu.memory_space<hbm>>
    tpu.wait_dma2 semaphore(%arg11 : memref<!tpu.dma_semaphore, #tpu.memory_space<semaphore_mem>>) src(%arg7 : memref<384x128xf32, #tpu.memory_space<vmem>>) dst(%dma_wait3A_206 : memref<384x128xf32, #tpu.memory_space<hbm>>)
    %dma_start3A_207 = arith.constant 9 : i32
    %dma_start3A_208 = arith.constant 0 : i32
    %dma_start3A_209 = arith.constant 0 : i32
    %dma_start3A_210 = tpu.memref_slice %arg7[%dma_start3A_208, %dma_start3A_209] : memref<384x128xf32, #tpu.memory_space<vmem>> -> memref<128x128xf32, #tpu.memory_space<vmem>>
    %dma_start3A_211 = arith.constant 0 : i32
    %dma_start3A_212 = tpu.memref_slice %arg5[%dma_start3A_207, %dma_start3A_211] : memref<24x128xi32, #tpu.memory_space<vmem>> -> memref<1x128xi32, #tpu.memory_space<vmem>>
    %dma_start3A_213 = tpu.memref_squeeze %dma_start3A_212 : memref<1x128xi32, #tpu.memory_space<vmem>> -> memref<128xi32, #tpu.memory_space<vmem>>
    %dma_start3A_214 = arith.constant 0 : i32
    %dma_start3A_215 = arith.constant 0 : i32
    %dma_start3A_216 = tpu.memref_slice %arg2[%dma_start3A_214, %dma_start3A_215] : memref<500000x128xf32, #tpu.memory_space<hbm>> -> memref<500000x128xf32, #tpu.memory_space<hbm>>
    tpu.enqueue_indirect_dma source(%dma_start3A_216 : memref<500000x128xf32, #tpu.memory_space<hbm>>) target(%dma_start3A_210 : memref<128x128xf32, #tpu.memory_space<vmem>>) offsets(%dma_start3A_213 : memref<128xi32, #tpu.memory_space<vmem>>) semaphore(%arg9 : memref<!tpu.dma_semaphore, #tpu.memory_space<semaphore_mem>>)
    %dma_start3A_217 = arith.constant 10 : i32
    %dma_start3A_218 = arith.constant 128 : i32
    %dma_start3A_219 = arith.constant 0 : i32
    %dma_start3A_220 = tpu.memref_slice %arg7[%dma_start3A_218, %dma_start3A_219] : memref<384x128xf32, #tpu.memory_space<vmem>> -> memref<128x128xf32, #tpu.memory_space<vmem>>
    %dma_start3A_221 = arith.constant 0 : i32
    %dma_start3A_222 = tpu.memref_slice %arg5[%dma_start3A_217, %dma_start3A_221] : memref<24x128xi32, #tpu.memory_space<vmem>> -> memref<1x128xi32, #tpu.memory_space<vmem>>
    %dma_start3A_223 = tpu.memref_squeeze %dma_start3A_222 : memref<1x128xi32, #tpu.memory_space<vmem>> -> memref<128xi32, #tpu.memory_space<vmem>>
    %dma_start3A_224 = arith.constant 0 : i32
    %dma_start3A_225 = arith.constant 0 : i32
    %dma_start3A_226 = tpu.memref_slice %arg2[%dma_start3A_224, %dma_start3A_225] : memref<500000x128xf32, #tpu.memory_space<hbm>> -> memref<500000x128xf32, #tpu.memory_space<hbm>>
    tpu.enqueue_indirect_dma source(%dma_start3A_226 : memref<500000x128xf32, #tpu.memory_space<hbm>>) target(%dma_start3A_220 : memref<128x128xf32, #tpu.memory_space<vmem>>) offsets(%dma_start3A_223 : memref<128xi32, #tpu.memory_space<vmem>>) semaphore(%arg9 : memref<!tpu.dma_semaphore, #tpu.memory_space<semaphore_mem>>)
    %dma_start3A_227 = arith.constant 11 : i32
    %dma_start3A_228 = arith.constant 256 : i32
    %dma_start3A_229 = arith.constant 0 : i32
    %dma_start3A_230 = tpu.memref_slice %arg7[%dma_start3A_228, %dma_start3A_229] : memref<384x128xf32, #tpu.memory_space<vmem>> -> memref<128x128xf32, #tpu.memory_space<vmem>>
    %dma_start3A_231 = arith.constant 0 : i32
    %dma_start3A_232 = tpu.memref_slice %arg5[%dma_start3A_227, %dma_start3A_231] : memref<24x128xi32, #tpu.memory_space<vmem>> -> memref<1x128xi32, #tpu.memory_space<vmem>>
    %dma_start3A_233 = tpu.memref_squeeze %dma_start3A_232 : memref<1x128xi32, #tpu.memory_space<vmem>> -> memref<128xi32, #tpu.memory_space<vmem>>
    %dma_start3A_234 = arith.constant 0 : i32
    %dma_start3A_235 = arith.constant 0 : i32
    %dma_start3A_236 = tpu.memref_slice %arg2[%dma_start3A_234, %dma_start3A_235] : memref<500000x128xf32, #tpu.memory_space<hbm>> -> memref<500000x128xf32, #tpu.memory_space<hbm>>
    tpu.enqueue_indirect_dma source(%dma_start3A_236 : memref<500000x128xf32, #tpu.memory_space<hbm>>) target(%dma_start3A_230 : memref<128x128xf32, #tpu.memory_space<vmem>>) offsets(%dma_start3A_233 : memref<128xi32, #tpu.memory_space<vmem>>) semaphore(%arg9 : memref<!tpu.dma_semaphore, #tpu.memory_space<semaphore_mem>>)
    %dma_wait3A_237 = arith.constant 9 : i32
    %dma_wait3A_238 = arith.constant 0 : i32
    %dma_wait3A_239 = arith.constant 0 : i32
    %dma_wait3A_240 = tpu.memref_slice %arg7[%dma_wait3A_238, %dma_wait3A_239] : memref<384x128xf32, #tpu.memory_space<vmem>> -> memref<128x128xf32, #tpu.memory_space<vmem>>
    %dma_wait3A_241 = arith.constant 0 : i32
    %dma_wait3A_242 = tpu.memref_slice %arg5[%dma_wait3A_237, %dma_wait3A_241] : memref<24x128xi32, #tpu.memory_space<vmem>> -> memref<1x128xi32, #tpu.memory_space<vmem>>
    %dma_wait3A_243 = tpu.memref_squeeze %dma_wait3A_242 : memref<1x128xi32, #tpu.memory_space<vmem>> -> memref<128xi32, #tpu.memory_space<vmem>>
    %dma_wait3A_244 = arith.constant 0 : i32
    %dma_wait3A_245 = arith.constant 0 : i32
    %dma_wait3A_246 = tpu.memref_slice %arg2[%dma_wait3A_244, %dma_wait3A_245] : memref<500000x128xf32, #tpu.memory_space<hbm>> -> memref<500000x128xf32, #tpu.memory_space<hbm>>
    tpu.wait_indirect_dma semaphore(%arg9 : memref<!tpu.dma_semaphore, #tpu.memory_space<semaphore_mem>>) src(%dma_wait3A_246 : memref<500000x128xf32, #tpu.memory_space<hbm>>) dst(%dma_wait3A_240 : memref<128x128xf32, #tpu.memory_space<vmem>>)
    %dma_wait3A_247 = arith.constant 10 : i32
    %dma_wait3A_248 = arith.constant 128 : i32
    %dma_wait3A_249 = arith.constant 0 : i32
    %dma_wait3A_250 = tpu.memref_slice %arg7[%dma_wait3A_248, %dma_wait3A_249] : memref<384x128xf32, #tpu.memory_space<vmem>> -> memref<128x128xf32, #tpu.memory_space<vmem>>
    %dma_wait3A_251 = arith.constant 0 : i32
    %dma_wait3A_252 = tpu.memref_slice %arg5[%dma_wait3A_247, %dma_wait3A_251] : memref<24x128xi32, #tpu.memory_space<vmem>> -> memref<1x128xi32, #tpu.memory_space<vmem>>
    %dma_wait3A_253 = tpu.memref_squeeze %dma_wait3A_252 : memref<1x128xi32, #tpu.memory_space<vmem>> -> memref<128xi32, #tpu.memory_space<vmem>>
    %dma_wait3A_254 = arith.constant 0 : i32
    %dma_wait3A_255 = arith.constant 0 : i32
    %dma_wait3A_256 = tpu.memref_slice %arg2[%dma_wait3A_254, %dma_wait3A_255] : memref<500000x128xf32, #tpu.memory_space<hbm>> -> memref<500000x128xf32, #tpu.memory_space<hbm>>
    tpu.wait_indirect_dma semaphore(%arg9 : memref<!tpu.dma_semaphore, #tpu.memory_space<semaphore_mem>>) src(%dma_wait3A_256 : memref<500000x128xf32, #tpu.memory_space<hbm>>) dst(%dma_wait3A_250 : memref<128x128xf32, #tpu.memory_space<vmem>>)
    %dma_wait3A_257 = arith.constant 11 : i32
    %dma_wait3A_258 = arith.constant 256 : i32
    %dma_wait3A_259 = arith.constant 0 : i32
    %dma_wait3A_260 = tpu.memref_slice %arg7[%dma_wait3A_258, %dma_wait3A_259] : memref<384x128xf32, #tpu.memory_space<vmem>> -> memref<128x128xf32, #tpu.memory_space<vmem>>
    %dma_wait3A_261 = arith.constant 0 : i32
    %dma_wait3A_262 = tpu.memref_slice %arg5[%dma_wait3A_257, %dma_wait3A_261] : memref<24x128xi32, #tpu.memory_space<vmem>> -> memref<1x128xi32, #tpu.memory_space<vmem>>
    %dma_wait3A_263 = tpu.memref_squeeze %dma_wait3A_262 : memref<1x128xi32, #tpu.memory_space<vmem>> -> memref<128xi32, #tpu.memory_space<vmem>>
    %dma_wait3A_264 = arith.constant 0 : i32
    %dma_wait3A_265 = arith.constant 0 : i32
    %dma_wait3A_266 = tpu.memref_slice %arg2[%dma_wait3A_264, %dma_wait3A_265] : memref<500000x128xf32, #tpu.memory_space<hbm>> -> memref<500000x128xf32, #tpu.memory_space<hbm>>
    tpu.wait_indirect_dma semaphore(%arg9 : memref<!tpu.dma_semaphore, #tpu.memory_space<semaphore_mem>>) src(%dma_wait3A_266 : memref<500000x128xf32, #tpu.memory_space<hbm>>) dst(%dma_wait3A_260 : memref<128x128xf32, #tpu.memory_space<vmem>>)
    %add3A_267 = arith.constant 1152 : i32
    %add3A_268 = arith.addi %mul3A_2, %add3A_267 : i32
    %dma_start3A_269 = arith.constant 0 : i32
    %dma_start3A_270 = tpu.memref_slice %arg4[%add3A_268, %dma_start3A_269] : memref<98304x128xf32, #tpu.memory_space<hbm>> -> memref<384x128xf32, #tpu.memory_space<hbm>>
    %dma_start3A_271 = arith.constant 0 : i32
    %dma_start3A_272 = tpu.memref_slice %arg4[%add3A_268, %dma_start3A_271] : memref<98304x128xf32, #tpu.memory_space<hbm>> -> memref<384x128xf32, #tpu.memory_space<hbm>>
    tpu.enqueue_dma source(%arg7 : memref<384x128xf32, #tpu.memory_space<vmem>>) target(%dma_start3A_272 : memref<384x128xf32, #tpu.memory_space<hbm>>) target_semaphore(%arg11 : memref<!tpu.dma_semaphore, #tpu.memory_space<semaphore_mem>>)
    %dma_wait3A_273 = arith.constant 0 : i32
    %dma_wait3A_274 = tpu.memref_slice %arg4[%add3A_198, %dma_wait3A_273] : memref<98304x128xf32, #tpu.memory_space<hbm>> -> memref<384x128xf32, #tpu.memory_space<hbm>>
    %dma_wait3A_275 = arith.constant 0 : i32
    %dma_wait3A_276 = tpu.memref_slice %arg4[%add3A_198, %dma_wait3A_275] : memref<98304x128xf32, #tpu.memory_space<hbm>> -> memref<384x128xf32, #tpu.memory_space<hbm>>
    tpu.wait_dma2 semaphore(%arg10 : memref<!tpu.dma_semaphore, #tpu.memory_space<semaphore_mem>>) src(%arg6 : memref<384x128xf32, #tpu.memory_space<vmem>>) dst(%dma_wait3A_276 : memref<384x128xf32, #tpu.memory_space<hbm>>)
    %dma_start3A_277 = arith.constant 12 : i32
    %dma_start3A_278 = arith.constant 0 : i32
    %dma_start3A_279 = arith.constant 0 : i32
    %dma_start3A_280 = tpu.memref_slice %arg6[%dma_start3A_278, %dma_start3A_279] : memref<384x128xf32, #tpu.memory_space<vmem>> -> memref<128x128xf32, #tpu.memory_space<vmem>>
    %dma_start3A_281 = arith.constant 0 : i32
    %dma_start3A_282 = tpu.memref_slice %arg5[%dma_start3A_277, %dma_start3A_281] : memref<24x128xi32, #tpu.memory_space<vmem>> -> memref<1x128xi32, #tpu.memory_space<vmem>>
    %dma_start3A_283 = tpu.memref_squeeze %dma_start3A_282 : memref<1x128xi32, #tpu.memory_space<vmem>> -> memref<128xi32, #tpu.memory_space<vmem>>
    %dma_start3A_284 = arith.constant 0 : i32
    %dma_start3A_285 = arith.constant 0 : i32
    %dma_start3A_286 = tpu.memref_slice %arg2[%dma_start3A_284, %dma_start3A_285] : memref<500000x128xf32, #tpu.memory_space<hbm>> -> memref<500000x128xf32, #tpu.memory_space<hbm>>
    tpu.enqueue_indirect_dma source(%dma_start3A_286 : memref<500000x128xf32, #tpu.memory_space<hbm>>) target(%dma_start3A_280 : memref<128x128xf32, #tpu.memory_space<vmem>>) offsets(%dma_start3A_283 : memref<128xi32, #tpu.memory_space<vmem>>) semaphore(%arg8 : memref<!tpu.dma_semaphore, #tpu.memory_space<semaphore_mem>>)
    %dma_start3A_287 = arith.constant 13 : i32
    %dma_start3A_288 = arith.constant 128 : i32
    %dma_start3A_289 = arith.constant 0 : i32
    %dma_start3A_290 = tpu.memref_slice %arg6[%dma_start3A_288, %dma_start3A_289] : memref<384x128xf32, #tpu.memory_space<vmem>> -> memref<128x128xf32, #tpu.memory_space<vmem>>
    %dma_start3A_291 = arith.constant 0 : i32
    %dma_start3A_292 = tpu.memref_slice %arg5[%dma_start3A_287, %dma_start3A_291] : memref<24x128xi32, #tpu.memory_space<vmem>> -> memref<1x128xi32, #tpu.memory_space<vmem>>
    %dma_start3A_293 = tpu.memref_squeeze %dma_start3A_292 : memref<1x128xi32, #tpu.memory_space<vmem>> -> memref<128xi32, #tpu.memory_space<vmem>>
    %dma_start3A_294 = arith.constant 0 : i32
    %dma_start3A_295 = arith.constant 0 : i32
    %dma_start3A_296 = tpu.memref_slice %arg2[%dma_start3A_294, %dma_start3A_295] : memref<500000x128xf32, #tpu.memory_space<hbm>> -> memref<500000x128xf32, #tpu.memory_space<hbm>>
    tpu.enqueue_indirect_dma source(%dma_start3A_296 : memref<500000x128xf32, #tpu.memory_space<hbm>>) target(%dma_start3A_290 : memref<128x128xf32, #tpu.memory_space<vmem>>) offsets(%dma_start3A_293 : memref<128xi32, #tpu.memory_space<vmem>>) semaphore(%arg8 : memref<!tpu.dma_semaphore, #tpu.memory_space<semaphore_mem>>)
    %dma_start3A_297 = arith.constant 14 : i32
    %dma_start3A_298 = arith.constant 256 : i32
    %dma_start3A_299 = arith.constant 0 : i32
    %dma_start3A_300 = tpu.memref_slice %arg6[%dma_start3A_298, %dma_start3A_299] : memref<384x128xf32, #tpu.memory_space<vmem>> -> memref<128x128xf32, #tpu.memory_space<vmem>>
    %dma_start3A_301 = arith.constant 0 : i32
    %dma_start3A_302 = tpu.memref_slice %arg5[%dma_start3A_297, %dma_start3A_301] : memref<24x128xi32, #tpu.memory_space<vmem>> -> memref<1x128xi32, #tpu.memory_space<vmem>>
    %dma_start3A_303 = tpu.memref_squeeze %dma_start3A_302 : memref<1x128xi32, #tpu.memory_space<vmem>> -> memref<128xi32, #tpu.memory_space<vmem>>
    %dma_start3A_304 = arith.constant 0 : i32
    %dma_start3A_305 = arith.constant 0 : i32
    %dma_start3A_306 = tpu.memref_slice %arg2[%dma_start3A_304, %dma_start3A_305] : memref<500000x128xf32, #tpu.memory_space<hbm>> -> memref<500000x128xf32, #tpu.memory_space<hbm>>
    tpu.enqueue_indirect_dma source(%dma_start3A_306 : memref<500000x128xf32, #tpu.memory_space<hbm>>) target(%dma_start3A_300 : memref<128x128xf32, #tpu.memory_space<vmem>>) offsets(%dma_start3A_303 : memref<128xi32, #tpu.memory_space<vmem>>) semaphore(%arg8 : memref<!tpu.dma_semaphore, #tpu.memory_space<semaphore_mem>>)
    %dma_wait3A_307 = arith.constant 12 : i32
    %dma_wait3A_308 = arith.constant 0 : i32
    %dma_wait3A_309 = arith.constant 0 : i32
    %dma_wait3A_310 = tpu.memref_slice %arg6[%dma_wait3A_308, %dma_wait3A_309] : memref<384x128xf32, #tpu.memory_space<vmem>> -> memref<128x128xf32, #tpu.memory_space<vmem>>
    %dma_wait3A_311 = arith.constant 0 : i32
    %dma_wait3A_312 = tpu.memref_slice %arg5[%dma_wait3A_307, %dma_wait3A_311] : memref<24x128xi32, #tpu.memory_space<vmem>> -> memref<1x128xi32, #tpu.memory_space<vmem>>
    %dma_wait3A_313 = tpu.memref_squeeze %dma_wait3A_312 : memref<1x128xi32, #tpu.memory_space<vmem>> -> memref<128xi32, #tpu.memory_space<vmem>>
    %dma_wait3A_314 = arith.constant 0 : i32
    %dma_wait3A_315 = arith.constant 0 : i32
    %dma_wait3A_316 = tpu.memref_slice %arg2[%dma_wait3A_314, %dma_wait3A_315] : memref<500000x128xf32, #tpu.memory_space<hbm>> -> memref<500000x128xf32, #tpu.memory_space<hbm>>
    tpu.wait_indirect_dma semaphore(%arg8 : memref<!tpu.dma_semaphore, #tpu.memory_space<semaphore_mem>>) src(%dma_wait3A_316 : memref<500000x128xf32, #tpu.memory_space<hbm>>) dst(%dma_wait3A_310 : memref<128x128xf32, #tpu.memory_space<vmem>>)
    %dma_wait3A_317 = arith.constant 13 : i32
    %dma_wait3A_318 = arith.constant 128 : i32
    %dma_wait3A_319 = arith.constant 0 : i32
    %dma_wait3A_320 = tpu.memref_slice %arg6[%dma_wait3A_318, %dma_wait3A_319] : memref<384x128xf32, #tpu.memory_space<vmem>> -> memref<128x128xf32, #tpu.memory_space<vmem>>
    %dma_wait3A_321 = arith.constant 0 : i32
    %dma_wait3A_322 = tpu.memref_slice %arg5[%dma_wait3A_317, %dma_wait3A_321] : memref<24x128xi32, #tpu.memory_space<vmem>> -> memref<1x128xi32, #tpu.memory_space<vmem>>
    %dma_wait3A_323 = tpu.memref_squeeze %dma_wait3A_322 : memref<1x128xi32, #tpu.memory_space<vmem>> -> memref<128xi32, #tpu.memory_space<vmem>>
    %dma_wait3A_324 = arith.constant 0 : i32
    %dma_wait3A_325 = arith.constant 0 : i32
    %dma_wait3A_326 = tpu.memref_slice %arg2[%dma_wait3A_324, %dma_wait3A_325] : memref<500000x128xf32, #tpu.memory_space<hbm>> -> memref<500000x128xf32, #tpu.memory_space<hbm>>
    tpu.wait_indirect_dma semaphore(%arg8 : memref<!tpu.dma_semaphore, #tpu.memory_space<semaphore_mem>>) src(%dma_wait3A_326 : memref<500000x128xf32, #tpu.memory_space<hbm>>) dst(%dma_wait3A_320 : memref<128x128xf32, #tpu.memory_space<vmem>>)
    %dma_wait3A_327 = arith.constant 14 : i32
    %dma_wait3A_328 = arith.constant 256 : i32
    %dma_wait3A_329 = arith.constant 0 : i32
    %dma_wait3A_330 = tpu.memref_slice %arg6[%dma_wait3A_328, %dma_wait3A_329] : memref<384x128xf32, #tpu.memory_space<vmem>> -> memref<128x128xf32, #tpu.memory_space<vmem>>
    %dma_wait3A_331 = arith.constant 0 : i32
    %dma_wait3A_332 = tpu.memref_slice %arg5[%dma_wait3A_327, %dma_wait3A_331] : memref<24x128xi32, #tpu.memory_space<vmem>> -> memref<1x128xi32, #tpu.memory_space<vmem>>
    %dma_wait3A_333 = tpu.memref_squeeze %dma_wait3A_332 : memref<1x128xi32, #tpu.memory_space<vmem>> -> memref<128xi32, #tpu.memory_space<vmem>>
    %dma_wait3A_334 = arith.constant 0 : i32
    %dma_wait3A_335 = arith.constant 0 : i32
    %dma_wait3A_336 = tpu.memref_slice %arg2[%dma_wait3A_334, %dma_wait3A_335] : memref<500000x128xf32, #tpu.memory_space<hbm>> -> memref<500000x128xf32, #tpu.memory_space<hbm>>
    tpu.wait_indirect_dma semaphore(%arg8 : memref<!tpu.dma_semaphore, #tpu.memory_space<semaphore_mem>>) src(%dma_wait3A_336 : memref<500000x128xf32, #tpu.memory_space<hbm>>) dst(%dma_wait3A_330 : memref<128x128xf32, #tpu.memory_space<vmem>>)
    %add3A_337 = arith.constant 1536 : i32
    %add3A_338 = arith.addi %mul3A_2, %add3A_337 : i32
    %dma_start3A_339 = arith.constant 0 : i32
    %dma_start3A_340 = tpu.memref_slice %arg4[%add3A_338, %dma_start3A_339] : memref<98304x128xf32, #tpu.memory_space<hbm>> -> memref<384x128xf32, #tpu.memory_space<hbm>>
    %dma_start3A_341 = arith.constant 0 : i32
    %dma_start3A_342 = tpu.memref_slice %arg4[%add3A_338, %dma_start3A_341] : memref<98304x128xf32, #tpu.memory_space<hbm>> -> memref<384x128xf32, #tpu.memory_space<hbm>>
    tpu.enqueue_dma source(%arg6 : memref<384x128xf32, #tpu.memory_space<vmem>>) target(%dma_start3A_342 : memref<384x128xf32, #tpu.memory_space<hbm>>) target_semaphore(%arg10 : memref<!tpu.dma_semaphore, #tpu.memory_space<semaphore_mem>>)
    %dma_wait3A_343 = arith.constant 0 : i32
    %dma_wait3A_344 = tpu.memref_slice %arg4[%add3A_268, %dma_wait3A_343] : memref<98304x128xf32, #tpu.memory_space<hbm>> -> memref<384x128xf32, #tpu.memory_space<hbm>>
    %dma_wait3A_345 = arith.constant 0 : i32
    %dma_wait3A_346 = tpu.memref_slice %arg4[%add3A_268, %dma_wait3A_345] : memref<98304x128xf32, #tpu.memory_space<hbm>> -> memref<384x128xf32, #tpu.memory_space<hbm>>
    tpu.wait_dma2 semaphore(%arg11 : memref<!tpu.dma_semaphore, #tpu.memory_space<semaphore_mem>>) src(%arg7 : memref<384x128xf32, #tpu.memory_space<vmem>>) dst(%dma_wait3A_346 : memref<384x128xf32, #tpu.memory_space<hbm>>)
    %dma_start3A_347 = arith.constant 15 : i32
    %dma_start3A_348 = arith.constant 0 : i32
    %dma_start3A_349 = arith.constant 0 : i32
    %dma_start3A_350 = tpu.memref_slice %arg7[%dma_start3A_348, %dma_start3A_349] : memref<384x128xf32, #tpu.memory_space<vmem>> -> memref<128x128xf32, #tpu.memory_space<vmem>>
    %dma_start3A_351 = arith.constant 0 : i32
    %dma_start3A_352 = tpu.memref_slice %arg5[%dma_start3A_347, %dma_start3A_351] : memref<24x128xi32, #tpu.memory_space<vmem>> -> memref<1x128xi32, #tpu.memory_space<vmem>>
    %dma_start3A_353 = tpu.memref_squeeze %dma_start3A_352 : memref<1x128xi32, #tpu.memory_space<vmem>> -> memref<128xi32, #tpu.memory_space<vmem>>
    %dma_start3A_354 = arith.constant 0 : i32
    %dma_start3A_355 = arith.constant 0 : i32
    %dma_start3A_356 = tpu.memref_slice %arg2[%dma_start3A_354, %dma_start3A_355] : memref<500000x128xf32, #tpu.memory_space<hbm>> -> memref<500000x128xf32, #tpu.memory_space<hbm>>
    tpu.enqueue_indirect_dma source(%dma_start3A_356 : memref<500000x128xf32, #tpu.memory_space<hbm>>) target(%dma_start3A_350 : memref<128x128xf32, #tpu.memory_space<vmem>>) offsets(%dma_start3A_353 : memref<128xi32, #tpu.memory_space<vmem>>) semaphore(%arg9 : memref<!tpu.dma_semaphore, #tpu.memory_space<semaphore_mem>>)
    %dma_start3A_357 = arith.constant 16 : i32
    %dma_start3A_358 = arith.constant 128 : i32
    %dma_start3A_359 = arith.constant 0 : i32
    %dma_start3A_360 = tpu.memref_slice %arg7[%dma_start3A_358, %dma_start3A_359] : memref<384x128xf32, #tpu.memory_space<vmem>> -> memref<128x128xf32, #tpu.memory_space<vmem>>
    %dma_start3A_361 = arith.constant 0 : i32
    %dma_start3A_362 = tpu.memref_slice %arg5[%dma_start3A_357, %dma_start3A_361] : memref<24x128xi32, #tpu.memory_space<vmem>> -> memref<1x128xi32, #tpu.memory_space<vmem>>
    %dma_start3A_363 = tpu.memref_squeeze %dma_start3A_362 : memref<1x128xi32, #tpu.memory_space<vmem>> -> memref<128xi32, #tpu.memory_space<vmem>>
    %dma_start3A_364 = arith.constant 0 : i32
    %dma_start3A_365 = arith.constant 0 : i32
    %dma_start3A_366 = tpu.memref_slice %arg2[%dma_start3A_364, %dma_start3A_365] : memref<500000x128xf32, #tpu.memory_space<hbm>> -> memref<500000x128xf32, #tpu.memory_space<hbm>>
    tpu.enqueue_indirect_dma source(%dma_start3A_366 : memref<500000x128xf32, #tpu.memory_space<hbm>>) target(%dma_start3A_360 : memref<128x128xf32, #tpu.memory_space<vmem>>) offsets(%dma_start3A_363 : memref<128xi32, #tpu.memory_space<vmem>>) semaphore(%arg9 : memref<!tpu.dma_semaphore, #tpu.memory_space<semaphore_mem>>)
    %dma_start3A_367 = arith.constant 17 : i32
    %dma_start3A_368 = arith.constant 256 : i32
    %dma_start3A_369 = arith.constant 0 : i32
    %dma_start3A_370 = tpu.memref_slice %arg7[%dma_start3A_368, %dma_start3A_369] : memref<384x128xf32, #tpu.memory_space<vmem>> -> memref<128x128xf32, #tpu.memory_space<vmem>>
    %dma_start3A_371 = arith.constant 0 : i32
    %dma_start3A_372 = tpu.memref_slice %arg5[%dma_start3A_367, %dma_start3A_371] : memref<24x128xi32, #tpu.memory_space<vmem>> -> memref<1x128xi32, #tpu.memory_space<vmem>>
    %dma_start3A_373 = tpu.memref_squeeze %dma_start3A_372 : memref<1x128xi32, #tpu.memory_space<vmem>> -> memref<128xi32, #tpu.memory_space<vmem>>
    %dma_start3A_374 = arith.constant 0 : i32
    %dma_start3A_375 = arith.constant 0 : i32
    %dma_start3A_376 = tpu.memref_slice %arg2[%dma_start3A_374, %dma_start3A_375] : memref<500000x128xf32, #tpu.memory_space<hbm>> -> memref<500000x128xf32, #tpu.memory_space<hbm>>
    tpu.enqueue_indirect_dma source(%dma_start3A_376 : memref<500000x128xf32, #tpu.memory_space<hbm>>) target(%dma_start3A_370 : memref<128x128xf32, #tpu.memory_space<vmem>>) offsets(%dma_start3A_373 : memref<128xi32, #tpu.memory_space<vmem>>) semaphore(%arg9 : memref<!tpu.dma_semaphore, #tpu.memory_space<semaphore_mem>>)
    %dma_wait3A_377 = arith.constant 15 : i32
    %dma_wait3A_378 = arith.constant 0 : i32
    %dma_wait3A_379 = arith.constant 0 : i32
    %dma_wait3A_380 = tpu.memref_slice %arg7[%dma_wait3A_378, %dma_wait3A_379] : memref<384x128xf32, #tpu.memory_space<vmem>> -> memref<128x128xf32, #tpu.memory_space<vmem>>
    %dma_wait3A_381 = arith.constant 0 : i32
    %dma_wait3A_382 = tpu.memref_slice %arg5[%dma_wait3A_377, %dma_wait3A_381] : memref<24x128xi32, #tpu.memory_space<vmem>> -> memref<1x128xi32, #tpu.memory_space<vmem>>
    %dma_wait3A_383 = tpu.memref_squeeze %dma_wait3A_382 : memref<1x128xi32, #tpu.memory_space<vmem>> -> memref<128xi32, #tpu.memory_space<vmem>>
    %dma_wait3A_384 = arith.constant 0 : i32
    %dma_wait3A_385 = arith.constant 0 : i32
    %dma_wait3A_386 = tpu.memref_slice %arg2[%dma_wait3A_384, %dma_wait3A_385] : memref<500000x128xf32, #tpu.memory_space<hbm>> -> memref<500000x128xf32, #tpu.memory_space<hbm>>
    tpu.wait_indirect_dma semaphore(%arg9 : memref<!tpu.dma_semaphore, #tpu.memory_space<semaphore_mem>>) src(%dma_wait3A_386 : memref<500000x128xf32, #tpu.memory_space<hbm>>) dst(%dma_wait3A_380 : memref<128x128xf32, #tpu.memory_space<vmem>>)
    %dma_wait3A_387 = arith.constant 16 : i32
    %dma_wait3A_388 = arith.constant 128 : i32
    %dma_wait3A_389 = arith.constant 0 : i32
    %dma_wait3A_390 = tpu.memref_slice %arg7[%dma_wait3A_388, %dma_wait3A_389] : memref<384x128xf32, #tpu.memory_space<vmem>> -> memref<128x128xf32, #tpu.memory_space<vmem>>
    %dma_wait3A_391 = arith.constant 0 : i32
    %dma_wait3A_392 = tpu.memref_slice %arg5[%dma_wait3A_387, %dma_wait3A_391] : memref<24x128xi32, #tpu.memory_space<vmem>> -> memref<1x128xi32, #tpu.memory_space<vmem>>
    %dma_wait3A_393 = tpu.memref_squeeze %dma_wait3A_392 : memref<1x128xi32, #tpu.memory_space<vmem>> -> memref<128xi32, #tpu.memory_space<vmem>>
    %dma_wait3A_394 = arith.constant 0 : i32
    %dma_wait3A_395 = arith.constant 0 : i32
    %dma_wait3A_396 = tpu.memref_slice %arg2[%dma_wait3A_394, %dma_wait3A_395] : memref<500000x128xf32, #tpu.memory_space<hbm>> -> memref<500000x128xf32, #tpu.memory_space<hbm>>
    tpu.wait_indirect_dma semaphore(%arg9 : memref<!tpu.dma_semaphore, #tpu.memory_space<semaphore_mem>>) src(%dma_wait3A_396 : memref<500000x128xf32, #tpu.memory_space<hbm>>) dst(%dma_wait3A_390 : memref<128x128xf32, #tpu.memory_space<vmem>>)
    %dma_wait3A_397 = arith.constant 17 : i32
    %dma_wait3A_398 = arith.constant 256 : i32
    %dma_wait3A_399 = arith.constant 0 : i32
    %dma_wait3A_400 = tpu.memref_slice %arg7[%dma_wait3A_398, %dma_wait3A_399] : memref<384x128xf32, #tpu.memory_space<vmem>> -> memref<128x128xf32, #tpu.memory_space<vmem>>
    %dma_wait3A_401 = arith.constant 0 : i32
    %dma_wait3A_402 = tpu.memref_slice %arg5[%dma_wait3A_397, %dma_wait3A_401] : memref<24x128xi32, #tpu.memory_space<vmem>> -> memref<1x128xi32, #tpu.memory_space<vmem>>
    %dma_wait3A_403 = tpu.memref_squeeze %dma_wait3A_402 : memref<1x128xi32, #tpu.memory_space<vmem>> -> memref<128xi32, #tpu.memory_space<vmem>>
    %dma_wait3A_404 = arith.constant 0 : i32
    %dma_wait3A_405 = arith.constant 0 : i32
    %dma_wait3A_406 = tpu.memref_slice %arg2[%dma_wait3A_404, %dma_wait3A_405] : memref<500000x128xf32, #tpu.memory_space<hbm>> -> memref<500000x128xf32, #tpu.memory_space<hbm>>
    tpu.wait_indirect_dma semaphore(%arg9 : memref<!tpu.dma_semaphore, #tpu.memory_space<semaphore_mem>>) src(%dma_wait3A_406 : memref<500000x128xf32, #tpu.memory_space<hbm>>) dst(%dma_wait3A_400 : memref<128x128xf32, #tpu.memory_space<vmem>>)
    %add3A_407 = arith.constant 1920 : i32
    %add3A_408 = arith.addi %mul3A_2, %add3A_407 : i32
    %dma_start3A_409 = arith.constant 0 : i32
    %dma_start3A_410 = tpu.memref_slice %arg4[%add3A_408, %dma_start3A_409] : memref<98304x128xf32, #tpu.memory_space<hbm>> -> memref<384x128xf32, #tpu.memory_space<hbm>>
    %dma_start3A_411 = arith.constant 0 : i32
    %dma_start3A_412 = tpu.memref_slice %arg4[%add3A_408, %dma_start3A_411] : memref<98304x128xf32, #tpu.memory_space<hbm>> -> memref<384x128xf32, #tpu.memory_space<hbm>>
    tpu.enqueue_dma source(%arg7 : memref<384x128xf32, #tpu.memory_space<vmem>>) target(%dma_start3A_412 : memref<384x128xf32, #tpu.memory_space<hbm>>) target_semaphore(%arg11 : memref<!tpu.dma_semaphore, #tpu.memory_space<semaphore_mem>>)
    %dma_wait3A_413 = arith.constant 0 : i32
    %dma_wait3A_414 = tpu.memref_slice %arg4[%add3A_338, %dma_wait3A_413] : memref<98304x128xf32, #tpu.memory_space<hbm>> -> memref<384x128xf32, #tpu.memory_space<hbm>>
    %dma_wait3A_415 = arith.constant 0 : i32
    %dma_wait3A_416 = tpu.memref_slice %arg4[%add3A_338, %dma_wait3A_415] : memref<98304x128xf32, #tpu.memory_space<hbm>> -> memref<384x128xf32, #tpu.memory_space<hbm>>
    tpu.wait_dma2 semaphore(%arg10 : memref<!tpu.dma_semaphore, #tpu.memory_space<semaphore_mem>>) src(%arg6 : memref<384x128xf32, #tpu.memory_space<vmem>>) dst(%dma_wait3A_416 : memref<384x128xf32, #tpu.memory_space<hbm>>)
    %dma_start3A_417 = arith.constant 18 : i32
    %dma_start3A_418 = arith.constant 0 : i32
    %dma_start3A_419 = arith.constant 0 : i32
    %dma_start3A_420 = tpu.memref_slice %arg6[%dma_start3A_418, %dma_start3A_419] : memref<384x128xf32, #tpu.memory_space<vmem>> -> memref<128x128xf32, #tpu.memory_space<vmem>>
    %dma_start3A_421 = arith.constant 0 : i32
    %dma_start3A_422 = tpu.memref_slice %arg5[%dma_start3A_417, %dma_start3A_421] : memref<24x128xi32, #tpu.memory_space<vmem>> -> memref<1x128xi32, #tpu.memory_space<vmem>>
    %dma_start3A_423 = tpu.memref_squeeze %dma_start3A_422 : memref<1x128xi32, #tpu.memory_space<vmem>> -> memref<128xi32, #tpu.memory_space<vmem>>
    %dma_start3A_424 = arith.constant 0 : i32
    %dma_start3A_425 = arith.constant 0 : i32
    %dma_start3A_426 = tpu.memref_slice %arg2[%dma_start3A_424, %dma_start3A_425] : memref<500000x128xf32, #tpu.memory_space<hbm>> -> memref<500000x128xf32, #tpu.memory_space<hbm>>
    tpu.enqueue_indirect_dma source(%dma_start3A_426 : memref<500000x128xf32, #tpu.memory_space<hbm>>) target(%dma_start3A_420 : memref<128x128xf32, #tpu.memory_space<vmem>>) offsets(%dma_start3A_423 : memref<128xi32, #tpu.memory_space<vmem>>) semaphore(%arg8 : memref<!tpu.dma_semaphore, #tpu.memory_space<semaphore_mem>>)
    %dma_start3A_427 = arith.constant 19 : i32
    %dma_start3A_428 = arith.constant 128 : i32
    %dma_start3A_429 = arith.constant 0 : i32
    %dma_start3A_430 = tpu.memref_slice %arg6[%dma_start3A_428, %dma_start3A_429] : memref<384x128xf32, #tpu.memory_space<vmem>> -> memref<128x128xf32, #tpu.memory_space<vmem>>
    %dma_start3A_431 = arith.constant 0 : i32
    %dma_start3A_432 = tpu.memref_slice %arg5[%dma_start3A_427, %dma_start3A_431] : memref<24x128xi32, #tpu.memory_space<vmem>> -> memref<1x128xi32, #tpu.memory_space<vmem>>
    %dma_start3A_433 = tpu.memref_squeeze %dma_start3A_432 : memref<1x128xi32, #tpu.memory_space<vmem>> -> memref<128xi32, #tpu.memory_space<vmem>>
    %dma_start3A_434 = arith.constant 0 : i32
    %dma_start3A_435 = arith.constant 0 : i32
    %dma_start3A_436 = tpu.memref_slice %arg2[%dma_start3A_434, %dma_start3A_435] : memref<500000x128xf32, #tpu.memory_space<hbm>> -> memref<500000x128xf32, #tpu.memory_space<hbm>>
    tpu.enqueue_indirect_dma source(%dma_start3A_436 : memref<500000x128xf32, #tpu.memory_space<hbm>>) target(%dma_start3A_430 : memref<128x128xf32, #tpu.memory_space<vmem>>) offsets(%dma_start3A_433 : memref<128xi32, #tpu.memory_space<vmem>>) semaphore(%arg8 : memref<!tpu.dma_semaphore, #tpu.memory_space<semaphore_mem>>)
    %dma_start3A_437 = arith.constant 20 : i32
    %dma_start3A_438 = arith.constant 256 : i32
    %dma_start3A_439 = arith.constant 0 : i32
    %dma_start3A_440 = tpu.memref_slice %arg6[%dma_start3A_438, %dma_start3A_439] : memref<384x128xf32, #tpu.memory_space<vmem>> -> memref<128x128xf32, #tpu.memory_space<vmem>>
    %dma_start3A_441 = arith.constant 0 : i32
    %dma_start3A_442 = tpu.memref_slice %arg5[%dma_start3A_437, %dma_start3A_441] : memref<24x128xi32, #tpu.memory_space<vmem>> -> memref<1x128xi32, #tpu.memory_space<vmem>>
    %dma_start3A_443 = tpu.memref_squeeze %dma_start3A_442 : memref<1x128xi32, #tpu.memory_space<vmem>> -> memref<128xi32, #tpu.memory_space<vmem>>
    %dma_start3A_444 = arith.constant 0 : i32
    %dma_start3A_445 = arith.constant 0 : i32
    %dma_start3A_446 = tpu.memref_slice %arg2[%dma_start3A_444, %dma_start3A_445] : memref<500000x128xf32, #tpu.memory_space<hbm>> -> memref<500000x128xf32, #tpu.memory_space<hbm>>
    tpu.enqueue_indirect_dma source(%dma_start3A_446 : memref<500000x128xf32, #tpu.memory_space<hbm>>) target(%dma_start3A_440 : memref<128x128xf32, #tpu.memory_space<vmem>>) offsets(%dma_start3A_443 : memref<128xi32, #tpu.memory_space<vmem>>) semaphore(%arg8 : memref<!tpu.dma_semaphore, #tpu.memory_space<semaphore_mem>>)
    %dma_wait3A_447 = arith.constant 18 : i32
    %dma_wait3A_448 = arith.constant 0 : i32
    %dma_wait3A_449 = arith.constant 0 : i32
    %dma_wait3A_450 = tpu.memref_slice %arg6[%dma_wait3A_448, %dma_wait3A_449] : memref<384x128xf32, #tpu.memory_space<vmem>> -> memref<128x128xf32, #tpu.memory_space<vmem>>
    %dma_wait3A_451 = arith.constant 0 : i32
    %dma_wait3A_452 = tpu.memref_slice %arg5[%dma_wait3A_447, %dma_wait3A_451] : memref<24x128xi32, #tpu.memory_space<vmem>> -> memref<1x128xi32, #tpu.memory_space<vmem>>
    %dma_wait3A_453 = tpu.memref_squeeze %dma_wait3A_452 : memref<1x128xi32, #tpu.memory_space<vmem>> -> memref<128xi32, #tpu.memory_space<vmem>>
    %dma_wait3A_454 = arith.constant 0 : i32
    %dma_wait3A_455 = arith.constant 0 : i32
    %dma_wait3A_456 = tpu.memref_slice %arg2[%dma_wait3A_454, %dma_wait3A_455] : memref<500000x128xf32, #tpu.memory_space<hbm>> -> memref<500000x128xf32, #tpu.memory_space<hbm>>
    tpu.wait_indirect_dma semaphore(%arg8 : memref<!tpu.dma_semaphore, #tpu.memory_space<semaphore_mem>>) src(%dma_wait3A_456 : memref<500000x128xf32, #tpu.memory_space<hbm>>) dst(%dma_wait3A_450 : memref<128x128xf32, #tpu.memory_space<vmem>>)
    %dma_wait3A_457 = arith.constant 19 : i32
    %dma_wait3A_458 = arith.constant 128 : i32
    %dma_wait3A_459 = arith.constant 0 : i32
    %dma_wait3A_460 = tpu.memref_slice %arg6[%dma_wait3A_458, %dma_wait3A_459] : memref<384x128xf32, #tpu.memory_space<vmem>> -> memref<128x128xf32, #tpu.memory_space<vmem>>
    %dma_wait3A_461 = arith.constant 0 : i32
    %dma_wait3A_462 = tpu.memref_slice %arg5[%dma_wait3A_457, %dma_wait3A_461] : memref<24x128xi32, #tpu.memory_space<vmem>> -> memref<1x128xi32, #tpu.memory_space<vmem>>
    %dma_wait3A_463 = tpu.memref_squeeze %dma_wait3A_462 : memref<1x128xi32, #tpu.memory_space<vmem>> -> memref<128xi32, #tpu.memory_space<vmem>>
    %dma_wait3A_464 = arith.constant 0 : i32
    %dma_wait3A_465 = arith.constant 0 : i32
    %dma_wait3A_466 = tpu.memref_slice %arg2[%dma_wait3A_464, %dma_wait3A_465] : memref<500000x128xf32, #tpu.memory_space<hbm>> -> memref<500000x128xf32, #tpu.memory_space<hbm>>
    tpu.wait_indirect_dma semaphore(%arg8 : memref<!tpu.dma_semaphore, #tpu.memory_space<semaphore_mem>>) src(%dma_wait3A_466 : memref<500000x128xf32, #tpu.memory_space<hbm>>) dst(%dma_wait3A_460 : memref<128x128xf32, #tpu.memory_space<vmem>>)
    %dma_wait3A_467 = arith.constant 20 : i32
    %dma_wait3A_468 = arith.constant 256 : i32
    %dma_wait3A_469 = arith.constant 0 : i32
    %dma_wait3A_470 = tpu.memref_slice %arg6[%dma_wait3A_468, %dma_wait3A_469] : memref<384x128xf32, #tpu.memory_space<vmem>> -> memref<128x128xf32, #tpu.memory_space<vmem>>
    %dma_wait3A_471 = arith.constant 0 : i32
    %dma_wait3A_472 = tpu.memref_slice %arg5[%dma_wait3A_467, %dma_wait3A_471] : memref<24x128xi32, #tpu.memory_space<vmem>> -> memref<1x128xi32, #tpu.memory_space<vmem>>
    %dma_wait3A_473 = tpu.memref_squeeze %dma_wait3A_472 : memref<1x128xi32, #tpu.memory_space<vmem>> -> memref<128xi32, #tpu.memory_space<vmem>>
    %dma_wait3A_474 = arith.constant 0 : i32
    %dma_wait3A_475 = arith.constant 0 : i32
    %dma_wait3A_476 = tpu.memref_slice %arg2[%dma_wait3A_474, %dma_wait3A_475] : memref<500000x128xf32, #tpu.memory_space<hbm>> -> memref<500000x128xf32, #tpu.memory_space<hbm>>
    tpu.wait_indirect_dma semaphore(%arg8 : memref<!tpu.dma_semaphore, #tpu.memory_space<semaphore_mem>>) src(%dma_wait3A_476 : memref<500000x128xf32, #tpu.memory_space<hbm>>) dst(%dma_wait3A_470 : memref<128x128xf32, #tpu.memory_space<vmem>>)
    %add3A_477 = arith.constant 2304 : i32
    %add3A_478 = arith.addi %mul3A_2, %add3A_477 : i32
    %dma_start3A_479 = arith.constant 0 : i32
    %dma_start3A_480 = tpu.memref_slice %arg4[%add3A_478, %dma_start3A_479] : memref<98304x128xf32, #tpu.memory_space<hbm>> -> memref<384x128xf32, #tpu.memory_space<hbm>>
    %dma_start3A_481 = arith.constant 0 : i32
    %dma_start3A_482 = tpu.memref_slice %arg4[%add3A_478, %dma_start3A_481] : memref<98304x128xf32, #tpu.memory_space<hbm>> -> memref<384x128xf32, #tpu.memory_space<hbm>>
    tpu.enqueue_dma source(%arg6 : memref<384x128xf32, #tpu.memory_space<vmem>>) target(%dma_start3A_482 : memref<384x128xf32, #tpu.memory_space<hbm>>) target_semaphore(%arg10 : memref<!tpu.dma_semaphore, #tpu.memory_space<semaphore_mem>>)
    %dma_wait3A_483 = arith.constant 0 : i32
    %dma_wait3A_484 = tpu.memref_slice %arg4[%add3A_408, %dma_wait3A_483] : memref<98304x128xf32, #tpu.memory_space<hbm>> -> memref<384x128xf32, #tpu.memory_space<hbm>>
    %dma_wait3A_485 = arith.constant 0 : i32
    %dma_wait3A_486 = tpu.memref_slice %arg4[%add3A_408, %dma_wait3A_485] : memref<98304x128xf32, #tpu.memory_space<hbm>> -> memref<384x128xf32, #tpu.memory_space<hbm>>
    tpu.wait_dma2 semaphore(%arg11 : memref<!tpu.dma_semaphore, #tpu.memory_space<semaphore_mem>>) src(%arg7 : memref<384x128xf32, #tpu.memory_space<vmem>>) dst(%dma_wait3A_486 : memref<384x128xf32, #tpu.memory_space<hbm>>)
    %dma_start3A_487 = arith.constant 21 : i32
    %dma_start3A_488 = arith.constant 0 : i32
    %dma_start3A_489 = arith.constant 0 : i32
    %dma_start3A_490 = tpu.memref_slice %arg7[%dma_start3A_488, %dma_start3A_489] : memref<384x128xf32, #tpu.memory_space<vmem>> -> memref<128x128xf32, #tpu.memory_space<vmem>>
    %dma_start3A_491 = arith.constant 0 : i32
    %dma_start3A_492 = tpu.memref_slice %arg5[%dma_start3A_487, %dma_start3A_491] : memref<24x128xi32, #tpu.memory_space<vmem>> -> memref<1x128xi32, #tpu.memory_space<vmem>>
    %dma_start3A_493 = tpu.memref_squeeze %dma_start3A_492 : memref<1x128xi32, #tpu.memory_space<vmem>> -> memref<128xi32, #tpu.memory_space<vmem>>
    %dma_start3A_494 = arith.constant 0 : i32
    %dma_start3A_495 = arith.constant 0 : i32
    %dma_start3A_496 = tpu.memref_slice %arg2[%dma_start3A_494, %dma_start3A_495] : memref<500000x128xf32, #tpu.memory_space<hbm>> -> memref<500000x128xf32, #tpu.memory_space<hbm>>
    tpu.enqueue_indirect_dma source(%dma_start3A_496 : memref<500000x128xf32, #tpu.memory_space<hbm>>) target(%dma_start3A_490 : memref<128x128xf32, #tpu.memory_space<vmem>>) offsets(%dma_start3A_493 : memref<128xi32, #tpu.memory_space<vmem>>) semaphore(%arg9 : memref<!tpu.dma_semaphore, #tpu.memory_space<semaphore_mem>>)
    %dma_start3A_497 = arith.constant 22 : i32
    %dma_start3A_498 = arith.constant 128 : i32
    %dma_start3A_499 = arith.constant 0 : i32
    %dma_start3A_500 = tpu.memref_slice %arg7[%dma_start3A_498, %dma_start3A_499] : memref<384x128xf32, #tpu.memory_space<vmem>> -> memref<128x128xf32, #tpu.memory_space<vmem>>
    %dma_start3A_501 = arith.constant 0 : i32
    %dma_start3A_502 = tpu.memref_slice %arg5[%dma_start3A_497, %dma_start3A_501] : memref<24x128xi32, #tpu.memory_space<vmem>> -> memref<1x128xi32, #tpu.memory_space<vmem>>
    %dma_start3A_503 = tpu.memref_squeeze %dma_start3A_502 : memref<1x128xi32, #tpu.memory_space<vmem>> -> memref<128xi32, #tpu.memory_space<vmem>>
    %dma_start3A_504 = arith.constant 0 : i32
    %dma_start3A_505 = arith.constant 0 : i32
    %dma_start3A_506 = tpu.memref_slice %arg2[%dma_start3A_504, %dma_start3A_505] : memref<500000x128xf32, #tpu.memory_space<hbm>> -> memref<500000x128xf32, #tpu.memory_space<hbm>>
    tpu.enqueue_indirect_dma source(%dma_start3A_506 : memref<500000x128xf32, #tpu.memory_space<hbm>>) target(%dma_start3A_500 : memref<128x128xf32, #tpu.memory_space<vmem>>) offsets(%dma_start3A_503 : memref<128xi32, #tpu.memory_space<vmem>>) semaphore(%arg9 : memref<!tpu.dma_semaphore, #tpu.memory_space<semaphore_mem>>)
    %dma_start3A_507 = arith.constant 23 : i32
    %dma_start3A_508 = arith.constant 256 : i32
    %dma_start3A_509 = arith.constant 0 : i32
    %dma_start3A_510 = tpu.memref_slice %arg7[%dma_start3A_508, %dma_start3A_509] : memref<384x128xf32, #tpu.memory_space<vmem>> -> memref<128x128xf32, #tpu.memory_space<vmem>>
    %dma_start3A_511 = arith.constant 0 : i32
    %dma_start3A_512 = tpu.memref_slice %arg5[%dma_start3A_507, %dma_start3A_511] : memref<24x128xi32, #tpu.memory_space<vmem>> -> memref<1x128xi32, #tpu.memory_space<vmem>>
    %dma_start3A_513 = tpu.memref_squeeze %dma_start3A_512 : memref<1x128xi32, #tpu.memory_space<vmem>> -> memref<128xi32, #tpu.memory_space<vmem>>
    %dma_start3A_514 = arith.constant 0 : i32
    %dma_start3A_515 = arith.constant 0 : i32
    %dma_start3A_516 = tpu.memref_slice %arg2[%dma_start3A_514, %dma_start3A_515] : memref<500000x128xf32, #tpu.memory_space<hbm>> -> memref<500000x128xf32, #tpu.memory_space<hbm>>
    tpu.enqueue_indirect_dma source(%dma_start3A_516 : memref<500000x128xf32, #tpu.memory_space<hbm>>) target(%dma_start3A_510 : memref<128x128xf32, #tpu.memory_space<vmem>>) offsets(%dma_start3A_513 : memref<128xi32, #tpu.memory_space<vmem>>) semaphore(%arg9 : memref<!tpu.dma_semaphore, #tpu.memory_space<semaphore_mem>>)
    %dma_wait3A_517 = arith.constant 21 : i32
    %dma_wait3A_518 = arith.constant 0 : i32
    %dma_wait3A_519 = arith.constant 0 : i32
    %dma_wait3A_520 = tpu.memref_slice %arg7[%dma_wait3A_518, %dma_wait3A_519] : memref<384x128xf32, #tpu.memory_space<vmem>> -> memref<128x128xf32, #tpu.memory_space<vmem>>
    %dma_wait3A_521 = arith.constant 0 : i32
    %dma_wait3A_522 = tpu.memref_slice %arg5[%dma_wait3A_517, %dma_wait3A_521] : memref<24x128xi32, #tpu.memory_space<vmem>> -> memref<1x128xi32, #tpu.memory_space<vmem>>
    %dma_wait3A_523 = tpu.memref_squeeze %dma_wait3A_522 : memref<1x128xi32, #tpu.memory_space<vmem>> -> memref<128xi32, #tpu.memory_space<vmem>>
    %dma_wait3A_524 = arith.constant 0 : i32
    %dma_wait3A_525 = arith.constant 0 : i32
    %dma_wait3A_526 = tpu.memref_slice %arg2[%dma_wait3A_524, %dma_wait3A_525] : memref<500000x128xf32, #tpu.memory_space<hbm>> -> memref<500000x128xf32, #tpu.memory_space<hbm>>
    tpu.wait_indirect_dma semaphore(%arg9 : memref<!tpu.dma_semaphore, #tpu.memory_space<semaphore_mem>>) src(%dma_wait3A_526 : memref<500000x128xf32, #tpu.memory_space<hbm>>) dst(%dma_wait3A_520 : memref<128x128xf32, #tpu.memory_space<vmem>>)
    %dma_wait3A_527 = arith.constant 22 : i32
    %dma_wait3A_528 = arith.constant 128 : i32
    %dma_wait3A_529 = arith.constant 0 : i32
    %dma_wait3A_530 = tpu.memref_slice %arg7[%dma_wait3A_528, %dma_wait3A_529] : memref<384x128xf32, #tpu.memory_space<vmem>> -> memref<128x128xf32, #tpu.memory_space<vmem>>
    %dma_wait3A_531 = arith.constant 0 : i32
    %dma_wait3A_532 = tpu.memref_slice %arg5[%dma_wait3A_527, %dma_wait3A_531] : memref<24x128xi32, #tpu.memory_space<vmem>> -> memref<1x128xi32, #tpu.memory_space<vmem>>
    %dma_wait3A_533 = tpu.memref_squeeze %dma_wait3A_532 : memref<1x128xi32, #tpu.memory_space<vmem>> -> memref<128xi32, #tpu.memory_space<vmem>>
    %dma_wait3A_534 = arith.constant 0 : i32
    %dma_wait3A_535 = arith.constant 0 : i32
    %dma_wait3A_536 = tpu.memref_slice %arg2[%dma_wait3A_534, %dma_wait3A_535] : memref<500000x128xf32, #tpu.memory_space<hbm>> -> memref<500000x128xf32, #tpu.memory_space<hbm>>
    tpu.wait_indirect_dma semaphore(%arg9 : memref<!tpu.dma_semaphore, #tpu.memory_space<semaphore_mem>>) src(%dma_wait3A_536 : memref<500000x128xf32, #tpu.memory_space<hbm>>) dst(%dma_wait3A_530 : memref<128x128xf32, #tpu.memory_space<vmem>>)
    %dma_wait3A_537 = arith.constant 23 : i32
    %dma_wait3A_538 = arith.constant 256 : i32
    %dma_wait3A_539 = arith.constant 0 : i32
    %dma_wait3A_540 = tpu.memref_slice %arg7[%dma_wait3A_538, %dma_wait3A_539] : memref<384x128xf32, #tpu.memory_space<vmem>> -> memref<128x128xf32, #tpu.memory_space<vmem>>
    %dma_wait3A_541 = arith.constant 0 : i32
    %dma_wait3A_542 = tpu.memref_slice %arg5[%dma_wait3A_537, %dma_wait3A_541] : memref<24x128xi32, #tpu.memory_space<vmem>> -> memref<1x128xi32, #tpu.memory_space<vmem>>
    %dma_wait3A_543 = tpu.memref_squeeze %dma_wait3A_542 : memref<1x128xi32, #tpu.memory_space<vmem>> -> memref<128xi32, #tpu.memory_space<vmem>>
    %dma_wait3A_544 = arith.constant 0 : i32
    %dma_wait3A_545 = arith.constant 0 : i32
    %dma_wait3A_546 = tpu.memref_slice %arg2[%dma_wait3A_544, %dma_wait3A_545] : memref<500000x128xf32, #tpu.memory_space<hbm>> -> memref<500000x128xf32, #tpu.memory_space<hbm>>
    tpu.wait_indirect_dma semaphore(%arg9 : memref<!tpu.dma_semaphore, #tpu.memory_space<semaphore_mem>>) src(%dma_wait3A_546 : memref<500000x128xf32, #tpu.memory_space<hbm>>) dst(%dma_wait3A_540 : memref<128x128xf32, #tpu.memory_space<vmem>>)
    %add3A_547 = arith.constant 2688 : i32
    %add3A_548 = arith.addi %mul3A_2, %add3A_547 : i32
    %dma_start3A_549 = arith.constant 0 : i32
    %dma_start3A_550 = tpu.memref_slice %arg4[%add3A_548, %dma_start3A_549] : memref<98304x128xf32, #tpu.memory_space<hbm>> -> memref<384x128xf32, #tpu.memory_space<hbm>>
    %dma_start3A_551 = arith.constant 0 : i32
    %dma_start3A_552 = tpu.memref_slice %arg4[%add3A_548, %dma_start3A_551] : memref<98304x128xf32, #tpu.memory_space<hbm>> -> memref<384x128xf32, #tpu.memory_space<hbm>>
    tpu.enqueue_dma source(%arg7 : memref<384x128xf32, #tpu.memory_space<vmem>>) target(%dma_start3A_552 : memref<384x128xf32, #tpu.memory_space<hbm>>) target_semaphore(%arg11 : memref<!tpu.dma_semaphore, #tpu.memory_space<semaphore_mem>>)
    %dma_wait3A_553 = arith.constant 0 : i32
    %dma_wait3A_554 = tpu.memref_slice %arg4[%add3A_478, %dma_wait3A_553] : memref<98304x128xf32, #tpu.memory_space<hbm>> -> memref<384x128xf32, #tpu.memory_space<hbm>>
    %dma_wait3A_555 = arith.constant 0 : i32
    %dma_wait3A_556 = tpu.memref_slice %arg4[%add3A_478, %dma_wait3A_555] : memref<98304x128xf32, #tpu.memory_space<hbm>> -> memref<384x128xf32, #tpu.memory_space<hbm>>
    tpu.wait_dma2 semaphore(%arg10 : memref<!tpu.dma_semaphore, #tpu.memory_space<semaphore_mem>>) src(%arg6 : memref<384x128xf32, #tpu.memory_space<vmem>>) dst(%dma_wait3A_556 : memref<384x128xf32, #tpu.memory_space<hbm>>)
    %dma_wait3A_557 = arith.constant 0 : i32
    %dma_wait3A_558 = tpu.memref_slice %arg4[%add3A_548, %dma_wait3A_557] : memref<98304x128xf32, #tpu.memory_space<hbm>> -> memref<384x128xf32, #tpu.memory_space<hbm>>
    %dma_wait3A_559 = arith.constant 0 : i32
    %dma_wait3A_560 = tpu.memref_slice %arg4[%add3A_548, %dma_wait3A_559] : memref<98304x128xf32, #tpu.memory_space<hbm>> -> memref<384x128xf32, #tpu.memory_space<hbm>>
    tpu.wait_dma2 semaphore(%arg11 : memref<!tpu.dma_semaphore, #tpu.memory_space<semaphore_mem>>) src(%arg7 : memref<384x128xf32, #tpu.memory_space<vmem>>) dst(%dma_wait3A_560 : memref<384x128xf32, #tpu.memory_space<hbm>>)
    return
  }
}

module attributes {stable_mosaic.version = 14 : i64} {
  func.func @_dense_body(%arg0: i32, %arg1: memref<2048x128xf32, #tpu.memory_space<vmem>>, %arg2: memref<2048x128xf32, #tpu.memory_space<vmem>>, %arg3: memref<2048x128xf32, #tpu.memory_space<vmem>>, %arg4: memref<2048x128xf32, #tpu.memory_space<vmem>>, %arg5: memref<2048x128xf32, #tpu.memory_space<vmem>>, %arg6: memref<2048x128xf32, #tpu.memory_space<vmem>>, %arg7: memref<2048x1xf32, #tpu.memory_space<vmem>>, %arg8: memref<2048x1xf32, #tpu.memory_space<vmem>>, %arg9: memref<2048x1xf32, #tpu.memory_space<vmem>>, %arg10: memref<2048x1xf32, #tpu.memory_space<vmem>>, %arg11: memref<2048x1xf32, #tpu.memory_space<vmem>>, %arg12: memref<2048x1xf32, #tpu.memory_space<vmem>>, %arg13: memref<64x192xf32, #tpu.memory_space<vmem>>, %arg14: memref<64x1xf32, #tpu.memory_space<vmem>>, %arg15: memref<64x64xf32, #tpu.memory_space<vmem>>, %arg16: memref<3x64x2048xf32, #tpu.memory_space<vmem>>, %arg17: memref<64x2048xf32, #tpu.memory_space<vmem>>) attributes {dimension_semantics = [#tpu.dimension_semantics<arbitrary>], iteration_bounds = array<i64: 8>, scalar_prefetch = 0 : i64, scratch_operands = 0 : i64, tpu.core_type = #tpu.core_type<tc>, window_params = [{transform_indices = @transform_0, window_bounds = array<i64: 2048, 128>}, {transform_indices = @transform_1, window_bounds = array<i64: 2048, 128>}, {transform_indices = @transform_2, window_bounds = array<i64: 2048, 128>}, {transform_indices = @transform_3, window_bounds = array<i64: 2048, 128>}, {transform_indices = @transform_4, window_bounds = array<i64: 2048, 128>}, {transform_indices = @transform_5, window_bounds = array<i64: 2048, 128>}, {transform_indices = @transform_6, window_bounds = array<i64: 2048, 1>}, {transform_indices = @transform_7, window_bounds = array<i64: 2048, 1>}, {transform_indices = @transform_8, window_bounds = array<i64: 2048, 1>}, {transform_indices = @transform_9, window_bounds = array<i64: 2048, 1>}, {transform_indices = @transform_10, window_bounds = array<i64: 2048, 1>}, {transform_indices = @transform_11, window_bounds = array<i64: 2048, 1>}, {pipeline_mode = #tpu.pipeline_mode<synchronous>, transform_indices = @transform_12, window_bounds = array<i64: 64, 192>}, {pipeline_mode = #tpu.pipeline_mode<synchronous>, transform_indices = @transform_13, window_bounds = array<i64: 64, 1>}, {pipeline_mode = #tpu.pipeline_mode<synchronous>, transform_indices = @transform_14, window_bounds = array<i64: 64, 64>}, {transform_indices = @transform_15, window_bounds = array<i64: 3, 64, 2048>}, {transform_indices = @transform_16, window_bounds = array<i64: 64, 2048>}]} {
    %get3A = arith.constant 0 : index
    %get3A_0 = arith.constant 0 : index
    %get3A_1 = vector.load %arg15[%get3A, %get3A_0] : memref<64x64xf32, #tpu.memory_space<vmem>>, vector<64x64xf32>
    %get3A_2 = arith.constant 0 : index
    %get3A_3 = arith.constant 0 : index
    %get3A_4 = vector.load %arg1[%get3A_2, %get3A_3] : memref<2048x128xf32, #tpu.memory_space<vmem>>, vector<2048x128xf32>
    %get3A_5 = arith.constant 0 : index
    %get3A_6 = arith.constant 0 : index
    %get3A_7 = vector.load %arg7[%get3A_5, %get3A_6] : memref<2048x1xf32, #tpu.memory_space<vmem>>, vector<2048x1xf32>
    %gt3A = arith.constant 5.000000e-01 : f32
    %gt3A_8 = vector.broadcast %gt3A : f32 to vector<2048x1xf32>
    %gt3A_9 = arith.cmpf ogt, %get3A_7, %gt3A_8 : vector<2048x1xf32>
    %slice3A = vector.extract_strided_slice %get3A_4 {offsets = [0, 64], sizes = [2048, 64], strides = [1, 1]} : vector<2048x128xf32> to vector<2048x64xf32>
    %slice3A_10 = vector.extract_strided_slice %get3A_4 {offsets = [0, 0], sizes = [2048, 64], strides = [1, 1]} : vector<2048x128xf32> to vector<2048x64xf32>
    %broadcast_in_dim3A = vector.shape_cast %gt3A_9 : vector<2048x1xi1> to vector<2048x1xi1>
    %broadcast_in_dim3A_11 = vector.broadcast %broadcast_in_dim3A : vector<2048x1xi1> to vector<2048x64xi1>
    %select_n3A = arith.select %broadcast_in_dim3A_11, %slice3A, %slice3A_10 : vector<2048x64xi1>, vector<2048x64xf32>
    %dot_general3A = arith.constant dense<0.000000e+00> : vector<64x2048xf32>
    %dot_general3A_12 = tpu.matmul %get3A_1, %select_n3A, %dot_general3A {dimension_numbers = #tpu.dot_dimension_numbers<[1], [1], [0], [0], [0, 0, 1, 0], [], []>, precision = #tpu.contract_precision<fp32>, transpose_lhs_hint = false} : vector<64x64xf32>, vector<2048x64xf32>, vector<64x2048xf32> -> vector<64x2048xf32>
    %swap3A = arith.constant 0 : index
    %swap3A_13 = arith.constant 0 : index
    %swap3A_14 = arith.constant 0 : index
    %swap3A_15 = vector.load %arg16[%swap3A, %swap3A_13, %swap3A_14] : memref<3x64x2048xf32, #tpu.memory_space<vmem>>, vector<1x64x2048xf32>
    %swap3A_16 = vector.shape_cast %swap3A_15 : vector<1x64x2048xf32> to vector<64x2048xf32>
    %swap3A_17 = vector.shape_cast %dot_general3A_12 : vector<64x2048xf32> to vector<1x64x2048xf32>
    tpu.vector_store %arg16[%swap3A, %swap3A_13, %swap3A_14], %swap3A_17 {strides = array<i32>} : memref<3x64x2048xf32, #tpu.memory_space<vmem>>, vector<1x64x2048xf32>,
    %get3A_18 = arith.constant 0 : index
    %get3A_19 = arith.constant 0 : index
    %get3A_20 = vector.load %arg2[%get3A_18, %get3A_19] : memref<2048x128xf32, #tpu.memory_space<vmem>>, vector<2048x128xf32>
    %get3A_21 = arith.constant 0 : index
    %get3A_22 = arith.constant 0 : index
    %get3A_23 = vector.load %arg8[%get3A_21, %get3A_22] : memref<2048x1xf32, #tpu.memory_space<vmem>>, vector<2048x1xf32>
    %gt3A_24 = arith.constant 5.000000e-01 : f32
    %gt3A_25 = vector.broadcast %gt3A_24 : f32 to vector<2048x1xf32>
    %gt3A_26 = arith.cmpf ogt, %get3A_23, %gt3A_25 : vector<2048x1xf32>
    %slice3A_27 = vector.extract_strided_slice %get3A_20 {offsets = [0, 64], sizes = [2048, 64], strides = [1, 1]} : vector<2048x128xf32> to vector<2048x64xf32>
    %slice3A_28 = vector.extract_strided_slice %get3A_20 {offsets = [0, 0], sizes = [2048, 64], strides = [1, 1]} : vector<2048x128xf32> to vector<2048x64xf32>
    %broadcast_in_dim3A_29 = vector.shape_cast %gt3A_26 : vector<2048x1xi1> to vector<2048x1xi1>
    %broadcast_in_dim3A_30 = vector.broadcast %broadcast_in_dim3A_29 : vector<2048x1xi1> to vector<2048x64xi1>
    %select_n3A_31 = arith.select %broadcast_in_dim3A_30, %slice3A_27, %slice3A_28 : vector<2048x64xi1>, vector<2048x64xf32>
    %dot_general3A_32 = arith.constant dense<0.000000e+00> : vector<64x2048xf32>
    %dot_general3A_33 = tpu.matmul %get3A_1, %select_n3A_31, %dot_general3A_32 {dimension_numbers = #tpu.dot_dimension_numbers<[1], [1], [0], [0], [0, 0, 1, 0], [], []>, precision = #tpu.contract_precision<fp32>, transpose_lhs_hint = false} : vector<64x64xf32>, vector<2048x64xf32>, vector<64x2048xf32> -> vector<64x2048xf32>
    %swap3A_34 = arith.constant 1 : index
    %swap3A_35 = arith.constant 0 : index
    %swap3A_36 = arith.constant 0 : index
    %swap3A_37 = vector.load %arg16[%swap3A_34, %swap3A_35, %swap3A_36] : memref<3x64x2048xf32, #tpu.memory_space<vmem>>, vector<1x64x2048xf32>
    %swap3A_38 = vector.shape_cast %swap3A_37 : vector<1x64x2048xf32> to vector<64x2048xf32>
    %swap3A_39 = vector.shape_cast %dot_general3A_33 : vector<64x2048xf32> to vector<1x64x2048xf32>
    tpu.vector_store %arg16[%swap3A_34, %swap3A_35, %swap3A_36], %swap3A_39 {strides = array<i32>} : memref<3x64x2048xf32, #tpu.memory_space<vmem>>, vector<1x64x2048xf32>,
    %get3A_40 = arith.constant 0 : index
    %get3A_41 = arith.constant 0 : index
    %get3A_42 = vector.load %arg3[%get3A_40, %get3A_41] : memref<2048x128xf32, #tpu.memory_space<vmem>>, vector<2048x128xf32>
    %get3A_43 = arith.constant 0 : index
    %get3A_44 = arith.constant 0 : index
    %get3A_45 = vector.load %arg9[%get3A_43, %get3A_44] : memref<2048x1xf32, #tpu.memory_space<vmem>>, vector<2048x1xf32>
    %gt3A_46 = arith.constant 5.000000e-01 : f32
    %gt3A_47 = vector.broadcast %gt3A_46 : f32 to vector<2048x1xf32>
    %gt3A_48 = arith.cmpf ogt, %get3A_45, %gt3A_47 : vector<2048x1xf32>
    %slice3A_49 = vector.extract_strided_slice %get3A_42 {offsets = [0, 64], sizes = [2048, 64], strides = [1, 1]} : vector<2048x128xf32> to vector<2048x64xf32>
    %slice3A_50 = vector.extract_strided_slice %get3A_42 {offsets = [0, 0], sizes = [2048, 64], strides = [1, 1]} : vector<2048x128xf32> to vector<2048x64xf32>
    %broadcast_in_dim3A_51 = vector.shape_cast %gt3A_48 : vector<2048x1xi1> to vector<2048x1xi1>
    %broadcast_in_dim3A_52 = vector.broadcast %broadcast_in_dim3A_51 : vector<2048x1xi1> to vector<2048x64xi1>
    %select_n3A_53 = arith.select %broadcast_in_dim3A_52, %slice3A_49, %slice3A_50 : vector<2048x64xi1>, vector<2048x64xf32>
    %dot_general3A_54 = arith.constant dense<0.000000e+00> : vector<64x2048xf32>
    %dot_general3A_55 = tpu.matmul %get3A_1, %select_n3A_53, %dot_general3A_54 {dimension_numbers = #tpu.dot_dimension_numbers<[1], [1], [0], [0], [0, 0, 1, 0], [], []>, precision = #tpu.contract_precision<fp32>, transpose_lhs_hint = false} : vector<64x64xf32>, vector<2048x64xf32>, vector<64x2048xf32> -> vector<64x2048xf32>
    %swap3A_56 = arith.constant 2 : index
    %swap3A_57 = arith.constant 0 : index
    %swap3A_58 = arith.constant 0 : index
    %swap3A_59 = vector.load %arg16[%swap3A_56, %swap3A_57, %swap3A_58] : memref<3x64x2048xf32, #tpu.memory_space<vmem>>, vector<1x64x2048xf32>
    %swap3A_60 = vector.shape_cast %swap3A_59 : vector<1x64x2048xf32> to vector<64x2048xf32>
    %swap3A_61 = vector.shape_cast %dot_general3A_55 : vector<64x2048xf32> to vector<1x64x2048xf32>
    tpu.vector_store %arg16[%swap3A_56, %swap3A_57, %swap3A_58], %swap3A_61 {strides = array<i32>} : memref<3x64x2048xf32, #tpu.memory_space<vmem>>, vector<1x64x2048xf32>,
    %get3A_62 = arith.constant 0 : index
    %get3A_63 = arith.constant 0 : index
    %get3A_64 = vector.load %arg13[%get3A_62, %get3A_63] : memref<64x192xf32, #tpu.memory_space<vmem>>, vector<64x192xf32>
    %slice3A_65 = vector.extract_strided_slice %get3A_64 {offsets = [0, 0], sizes = [64, 64], strides = [1, 1]} : vector<64x192xf32> to vector<64x64xf32>
    %get3A_66 = arith.constant 0 : index
    %get3A_67 = arith.constant 0 : index
    %get3A_68 = vector.load %arg4[%get3A_66, %get3A_67] : memref<2048x128xf32, #tpu.memory_space<vmem>>, vector<2048x128xf32>
    %get3A_69 = arith.constant 0 : index
    %get3A_70 = arith.constant 0 : index
    %get3A_71 = vector.load %arg10[%get3A_69, %get3A_70] : memref<2048x1xf32, #tpu.memory_space<vmem>>, vector<2048x1xf32>
    %gt3A_72 = arith.constant 5.000000e-01 : f32
    %gt3A_73 = vector.broadcast %gt3A_72 : f32 to vector<2048x1xf32>
    %gt3A_74 = arith.cmpf ogt, %get3A_71, %gt3A_73 : vector<2048x1xf32>
    %slice3A_75 = vector.extract_strided_slice %get3A_68 {offsets = [0, 64], sizes = [2048, 64], strides = [1, 1]} : vector<2048x128xf32> to vector<2048x64xf32>
    %slice3A_76 = vector.extract_strided_slice %get3A_68 {offsets = [0, 0], sizes = [2048, 64], strides = [1, 1]} : vector<2048x128xf32> to vector<2048x64xf32>
    %broadcast_in_dim3A_77 = vector.shape_cast %gt3A_74 : vector<2048x1xi1> to vector<2048x1xi1>
    %broadcast_in_dim3A_78 = vector.broadcast %broadcast_in_dim3A_77 : vector<2048x1xi1> to vector<2048x64xi1>
    %select_n3A_79 = arith.select %broadcast_in_dim3A_78, %slice3A_75, %slice3A_76 : vector<2048x64xi1>, vector<2048x64xf32>
    %dot_general3A_80 = arith.constant dense<0.000000e+00> : vector<64x2048xf32>
    %dot_general3A_81 = tpu.matmul %slice3A_65, %select_n3A_79, %dot_general3A_80 {dimension_numbers = #tpu.dot_dimension_numbers<[1], [1], [0], [0], [0, 0, 1, 0], [], []>, precision = #tpu.contract_precision<fp32>, transpose_lhs_hint = false} : vector<64x64xf32>, vector<2048x64xf32>, vector<64x2048xf32> -> vector<64x2048xf32>
    %slice3A_82 = vector.extract_strided_slice %get3A_64 {offsets = [0, 64], sizes = [64, 64], strides = [1, 1]} : vector<64x192xf32> to vector<64x64xf32>
    %get3A_83 = arith.constant 0 : index
    %get3A_84 = arith.constant 0 : index
    %get3A_85 = vector.load %arg5[%get3A_83, %get3A_84] : memref<2048x128xf32, #tpu.memory_space<vmem>>, vector<2048x128xf32>
    %get3A_86 = arith.constant 0 : index
    %get3A_87 = arith.constant 0 : index
    %get3A_88 = vector.load %arg11[%get3A_86, %get3A_87] : memref<2048x1xf32, #tpu.memory_space<vmem>>, vector<2048x1xf32>
    %gt3A_89 = arith.constant 5.000000e-01 : f32
    %gt3A_90 = vector.broadcast %gt3A_89 : f32 to vector<2048x1xf32>
    %gt3A_91 = arith.cmpf ogt, %get3A_88, %gt3A_90 : vector<2048x1xf32>
    %slice3A_92 = vector.extract_strided_slice %get3A_85 {offsets = [0, 64], sizes = [2048, 64], strides = [1, 1]} : vector<2048x128xf32> to vector<2048x64xf32>
    %slice3A_93 = vector.extract_strided_slice %get3A_85 {offsets = [0, 0], sizes = [2048, 64], strides = [1, 1]} : vector<2048x128xf32> to vector<2048x64xf32>
    %broadcast_in_dim3A_94 = vector.shape_cast %gt3A_91 : vector<2048x1xi1> to vector<2048x1xi1>
    %broadcast_in_dim3A_95 = vector.broadcast %broadcast_in_dim3A_94 : vector<2048x1xi1> to vector<2048x64xi1>
    %select_n3A_96 = arith.select %broadcast_in_dim3A_95, %slice3A_92, %slice3A_93 : vector<2048x64xi1>, vector<2048x64xf32>
    %dot_general3A_97 = arith.constant dense<0.000000e+00> : vector<64x2048xf32>
    %dot_general3A_98 = tpu.matmul %slice3A_82, %select_n3A_96, %dot_general3A_97 {dimension_numbers = #tpu.dot_dimension_numbers<[1], [1], [0], [0], [0, 0, 1, 0], [], []>, precision = #tpu.contract_precision<fp32>, transpose_lhs_hint = false} : vector<64x64xf32>, vector<2048x64xf32>, vector<64x2048xf32> -> vector<64x2048xf32>
    %add3A = arith.addf %dot_general3A_81, %dot_general3A_98 : vector<64x2048xf32>
    %slice3A_99 = vector.extract_strided_slice %get3A_64 {offsets = [0, 128], sizes = [64, 64], strides = [1, 1]} : vector<64x192xf32> to vector<64x64xf32>
    %get3A_100 = arith.constant 0 : index
    %get3A_101 = arith.constant 0 : index
    %get3A_102 = vector.load %arg6[%get3A_100, %get3A_101] : memref<2048x128xf32, #tpu.memory_space<vmem>>, vector<2048x128xf32>
    %get3A_103 = arith.constant 0 : index
    %get3A_104 = arith.constant 0 : index
    %get3A_105 = vector.load %arg12[%get3A_103, %get3A_104] : memref<2048x1xf32, #tpu.memory_space<vmem>>, vector<2048x1xf32>
    %gt3A_106 = arith.constant 5.000000e-01 : f32
    %gt3A_107 = vector.broadcast %gt3A_106 : f32 to vector<2048x1xf32>
    %gt3A_108 = arith.cmpf ogt, %get3A_105, %gt3A_107 : vector<2048x1xf32>
    %slice3A_109 = vector.extract_strided_slice %get3A_102 {offsets = [0, 64], sizes = [2048, 64], strides = [1, 1]} : vector<2048x128xf32> to vector<2048x64xf32>
    %slice3A_110 = vector.extract_strided_slice %get3A_102 {offsets = [0, 0], sizes = [2048, 64], strides = [1, 1]} : vector<2048x128xf32> to vector<2048x64xf32>
    %broadcast_in_dim3A_111 = vector.shape_cast %gt3A_108 : vector<2048x1xi1> to vector<2048x1xi1>
    %broadcast_in_dim3A_112 = vector.broadcast %broadcast_in_dim3A_111 : vector<2048x1xi1> to vector<2048x64xi1>
    %select_n3A_113 = arith.select %broadcast_in_dim3A_112, %slice3A_109, %slice3A_110 : vector<2048x64xi1>, vector<2048x64xf32>
    %dot_general3A_114 = arith.constant dense<0.000000e+00> : vector<64x2048xf32>
    %dot_general3A_115 = tpu.matmul %slice3A_99, %select_n3A_113, %dot_general3A_114 {dimension_numbers = #tpu.dot_dimension_numbers<[1], [1], [0], [0], [0, 0, 1, 0], [], []>, precision = #tpu.contract_precision<fp32>, transpose_lhs_hint = false} : vector<64x64xf32>, vector<2048x64xf32>, vector<64x2048xf32> -> vector<64x2048xf32>
    %add3A_116 = arith.addf %add3A, %dot_general3A_115 : vector<64x2048xf32>
    %get3A_117 = arith.constant 0 : index
    %get3A_118 = arith.constant 0 : index
    %get3A_119 = vector.load %arg14[%get3A_117, %get3A_118] : memref<64x1xf32, #tpu.memory_space<vmem>>, vector<64x1xf32>
    %add3A_120 = vector.broadcast %get3A_119 : vector<64x1xf32> to vector<64x2048xf32>
    %add3A_121 = arith.addf %add3A_116, %add3A_120 : vector<64x2048xf32>
    %tanh3A = math.tanh %add3A_121 : vector<64x2048xf32>
    %swap3A_122 = arith.constant 0 : index
    %swap3A_123 = arith.constant 0 : index
    %swap3A_124 = vector.load %arg17[%swap3A_122, %swap3A_123] : memref<64x2048xf32, #tpu.memory_space<vmem>>, vector<64x2048xf32>
    tpu.vector_store %arg17[%swap3A_122, %swap3A_123], %tanh3A {strides = array<i32>} : memref<64x2048xf32, #tpu.memory_space<vmem>>, vector<64x2048xf32>,
    return
  }
  func.func @transform_0(%arg0: i32) -> (i32, i32) {
    %add3A = arith.constant 24 : i32
    %add3A_0 = arith.addi %arg0, %add3A : i32
    %c0_i32 = arith.constant 0 : i32
    %c0_i32_1 = arith.constant 0 : i32
    return %add3A_0, %c0_i32 : i32, i32
  }
  func.func @transform_1(%arg0: i32) -> (i32, i32) {
    %add3A = arith.constant 32 : i32
    %add3A_0 = arith.addi %arg0, %add3A : i32
    %c0_i32 = arith.constant 0 : i32
    %c0_i32_1 = arith.constant 0 : i32
    return %add3A_0, %c0_i32 : i32, i32
  }
  func.func @transform_2(%arg0: i32) -> (i32, i32) {
    %add3A = arith.constant 40 : i32
    %add3A_0 = arith.addi %arg0, %add3A : i32
    %c0_i32 = arith.constant 0 : i32
    %c0_i32_1 = arith.constant 0 : i32
    return %add3A_0, %c0_i32 : i32, i32
  }
  func.func @transform_3(%arg0: i32) -> (i32, i32) {
    %add3A = arith.constant 0 : i32
    %add3A_0 = arith.addi %arg0, %add3A : i32
    %c0_i32 = arith.constant 0 : i32
    %c0_i32_1 = arith.constant 0 : i32
    return %add3A_0, %c0_i32 : i32, i32
  }
  func.func @transform_4(%arg0: i32) -> (i32, i32) {
    %add3A = arith.constant 8 : i32
    %add3A_0 = arith.addi %arg0, %add3A : i32
    %c0_i32 = arith.constant 0 : i32
    %c0_i32_1 = arith.constant 0 : i32
    return %add3A_0, %c0_i32 : i32, i32
  }
  func.func @transform_5(%arg0: i32) -> (i32, i32) {
    %add3A = arith.constant 16 : i32
    %add3A_0 = arith.addi %arg0, %add3A : i32
    %c0_i32 = arith.constant 0 : i32
    %c0_i32_1 = arith.constant 0 : i32
    return %add3A_0, %c0_i32 : i32, i32
  }
  func.func @transform_6(%arg0: i32) -> (i32, i32) {
    %add3A = arith.constant 24 : i32
    %add3A_0 = arith.addi %arg0, %add3A : i32
    %c0_i32 = arith.constant 0 : i32
    %c0_i32_1 = arith.constant 0 : i32
    return %add3A_0, %c0_i32 : i32, i32
  }
  func.func @transform_7(%arg0: i32) -> (i32, i32) {
    %add3A = arith.constant 32 : i32
    %add3A_0 = arith.addi %arg0, %add3A : i32
    %c0_i32 = arith.constant 0 : i32
    %c0_i32_1 = arith.constant 0 : i32
    return %add3A_0, %c0_i32 : i32, i32
  }
  func.func @transform_8(%arg0: i32) -> (i32, i32) {
    %add3A = arith.constant 40 : i32
    %add3A_0 = arith.addi %arg0, %add3A : i32
    %c0_i32 = arith.constant 0 : i32
    %c0_i32_1 = arith.constant 0 : i32
    return %add3A_0, %c0_i32 : i32, i32
  }
  func.func @transform_9(%arg0: i32) -> (i32, i32) {
    %add3A = arith.constant 0 : i32
    %add3A_0 = arith.addi %arg0, %add3A : i32
    %c0_i32 = arith.constant 0 : i32
    %c0_i32_1 = arith.constant 0 : i32
    return %add3A_0, %c0_i32 : i32, i32
  }
  func.func @transform_10(%arg0: i32) -> (i32, i32) {
    %add3A = arith.constant 8 : i32
    %add3A_0 = arith.addi %arg0, %add3A : i32
    %c0_i32 = arith.constant 0 : i32
    %c0_i32_1 = arith.constant 0 : i32
    return %add3A_0, %c0_i32 : i32, i32
  }
  func.func @transform_11(%arg0: i32) -> (i32, i32) {
    %add3A = arith.constant 16 : i32
    %add3A_0 = arith.addi %arg0, %add3A : i32
    %c0_i32 = arith.constant 0 : i32
    %c0_i32_1 = arith.constant 0 : i32
    return %add3A_0, %c0_i32 : i32, i32
  }
  func.func @transform_12(%arg0: i32) -> (i32, i32) {
    %c0_i32 = arith.constant 0 : i32
    %c0_i32_0 = arith.constant 0 : i32
    %c0_i32_1 = arith.constant 0 : i32
    return %c0_i32, %c0_i32_0 : i32, i32
  }
  func.func @transform_13(%arg0: i32) -> (i32, i32) {
    %c0_i32 = arith.constant 0 : i32
    %c0_i32_0 = arith.constant 0 : i32
    %c0_i32_1 = arith.constant 0 : i32
    return %c0_i32, %c0_i32_0 : i32, i32
  }
  func.func @transform_14(%arg0: i32) -> (i32, i32) {
    %c0_i32 = arith.constant 0 : i32
    %c0_i32_0 = arith.constant 0 : i32
    %c0_i32_1 = arith.constant 0 : i32
    return %c0_i32, %c0_i32_0 : i32, i32
  }
  func.func @transform_15(%arg0: i32) -> (i32, i32, i32) {
    %c0_i32 = arith.constant 0 : i32
    %c0_i32_0 = arith.constant 0 : i32
    %c0_i32_1 = arith.constant 0 : i32
    return %c0_i32, %c0_i32_0, %arg0 : i32, i32, i32
  }
  func.func @transform_16(%arg0: i32) -> (i32, i32) {
    %c0_i32 = arith.constant 0 : i32
    %c0_i32_0 = arith.constant 0 : i32
    return %c0_i32, %arg0 : i32, i32
  }
}

</mosaic_0001>

<sc_bundles>
// kernel: kernel.4.cloned.1.call-start
scs
__scs_entry_jumppad:
0x0: {  	(pc) =	sbr.rel $0x88, $3  }
0x1: {  	(tag) =	ssettag $0x0;
	lr =	simm.s32 $0x1  }
0x2: {  	[smem:$0x3F9B] =	sst lr;
	_ =	strace $0xD0000000  }
0x3: {  	_ = 	snop  }
0x4: {  	_ = 	snop  }
0x5: {  	_ = 	snop  }
0x6: {  	_ = 	snop  }
0x7: {  	_ = 	snop  }
__scs_overlays_trampoline_lowered:
0x8: {  	[smem:$0x3FAA] =	sst s0  }
0x9: {  	[smem:$0x3FAB] =	sst s1  }
0xa: {  	[smem:$0x3FAC] =	sst s2  }
0xb: {  	[smem:$0x3FAD] =	sst s3  }
0xc: {  	[smem:$0x3FAE] =	sst s4  }
0xd: {  	[smem:$0x3FAF] =	sst s5  }
0xe: {  	[smem:$0x3FB0] =	sst s6  }
0xf: {  	[smem:$0x3FB1] =	sst s7  }
0x10: {  	[smem:$0x3FB2] =	sst s8  }
0x11: {  	[smem:$0x3FB3] =	sst s9;
	s0 =	simm.s32 @!p0 $0x0  }
0x12: {  	s1 =	sld [smem:$0x3F99];
	s0 =	simm.s32 @p0 $0x1  }
0x13: {  	[smem:$0x3FB4] =	sst s0;
	s0 =	simm.s32 @!p1 $0x0  }
0x14: {  	s2 =	sld [smem:$0x3F98];
	s0 =	simm.s32 @p1 $0x1  }
0x15: {  	[smem:$0x3FB5] =	sst s0;
	s0 =	simm.s32 @!p2 $0x0  }
0x16: {  	s3 =	sld [smem:$0x3FDB];
	s0 =	simm.s32 @p2 $0x1  }
0x17: {  	s4 =	simm.s32 $0x1BF5;
	[smem:$0x3FB7] =	sst s0  }
0x18: {  	s0 =	sld [smem:$0x3F9A];
	_ =	swait.ge [sflag:s4], $0x0  }
0x19: {  	s7 =	sld [smem:$0x3F9B]  }
0x1a: {  	s8 =	sadd.s32 $0xFFFFE003, lr  }
0x1b: {  	s9 =	sadd.s32 $0xFFFFFEF7, lr;
	s5 =	simm.s32 $0xFFFFFFFF;
	p2 =	slt.u32 s8, $0xFFFFF086  }
0x1c: {  	p1 =	slt.u32 s9, $0xF7A;
	s5 =	simm.s32 @!p2 $0x0  }
0x1d: {  	s5 =	simm.s32 @p1 $0x1;
	p0 =	seq.s32 s7, s2  }
0x1e: {  	s7 =	smul.u32 @!p0 $0xF7A, s2;
	p2 =	seq.s32 @!p0 s5, $0x0  }
0x1f: {  	s9 =	smul.u32 $0xF7A, s1;
	s8 =	simm.s32 @!p0 $0x1BF5;
	p2 =	por !p2, p0  }
0x20: {  	[sflag:s8] =	ssyncset.s32 @!p0 $0xFFFFF086;
	s6 =	sadd.s32 @!p0 s3, s7;
	s7 =	simm.s32 @!p0 $0x108  }
0x21: {  	s3 =	sadd.s32 s3, s9;
	s6 =	sadd.s32 @!p0 $0x88, s6;
	s7 =	simm.s32 @p2 $0x1082  }
0x22: {  	[simem:s7], [sflag:s8] =	dma.local @!p0 [hbm:s6], $0xF7A  }
0x23: {  	s9 =	sor.u32 $0xD0000000, s2;
	s6 =	simm.s32 $0x108;
	_ =	swait.ge @!p0 [sflag:s8], $0x0  }
0x24: {  	s3 =	sadd.s32 $0x88, s3;
	s6 =	simm.s32 @!p1 $0x1082;
	[sflag:s4] =	ssyncset.s32 $0xFFFFF086  }
0x25: {  	[simem:s6], [sflag:s4] =	dma.local [hbm:s3], $0xF7A  }
0x26: {  	[smem:$0x3F9B] =	sst s1;
	(tag) =	ssettag s2;
	_ =	strace s9  }
0x27: {  	s1 =	sld [smem:$0x3FAB]  }
0x28: {  	s2 =	sld [smem:$0x3FAC]  }
0x29: {  	s4 =	sld [smem:$0x3FAE]  }
0x2a: {  	p0 =	seq.s32 s5, $0x0;
	s5 =	sld [smem:$0x3FAF]  }
0x2b: {  	s6 =	sld [smem:$0x3FB0]  }
0x2c: {  	s7 =	sld [smem:$0x3FB1]  }
0x2d: {  	s3 =	simm.s32 $0x108;
	s8 =	sld [smem:$0x3FB2]  }
0x2e: {  	s3 =	simm.s32 @!p0 $0x1082;
	s9 =	sld [smem:$0x3FB3]  }
0x2f: {  	lr =	sadd.s32 s0, s3;
	s0 =	sld [smem:$0x3FAA]  }
0x30: {  	s3 =	sld [smem:$0x3FAD]  }
0x31: {  	[smem:$0x3FB6] =	sst s10  }
0x32: {  	s10 =	sld [smem:$0x3FB4];
	_ =	sdelay $0x3  }
0x33: {  	p0 =	seq.s32 s10, $0x1;
	s10 =	sld [smem:$0x3FB6];
	_ =	sdelay $0x3  }
0x34: {  	[smem:$0x3FB6] =	sst s10  }
0x35: {  	s10 =	sld [smem:$0x3FB5];
	_ =	sdelay $0x3  }
0x36: {  	p1 =	seq.s32 s10, $0x1;
	s10 =	sld [smem:$0x3FB6];
	_ =	sdelay $0x3  }
0x37: {  	[smem:$0x3FB6] =	sst s10  }
0x38: {  	s10 =	sld [smem:$0x3FB7]  }
0x39: {  	_ = 	snop;
	(pc) =	sbr.ind lr, $3  }
0x3a: {  	_ = 	snop  }
0x3b: {  	_ = 	snop  }
0x3c: {  	p2 =	seq.s32 s10, $0x1;
	s10 =	sld [smem:$0x3FB6]  }
0x3d: {  	_ =	shalt  }
0x3e: {  	_ =	shalt  }
0x3f: {  	_ =	shalt  }
0x40: {  	_ =	shalt  }
0x41: {  	_ =	shalt  }
0x42: {  	_ =	shalt  }
0x43: {  	_ =	shalt  }
0x44: {  	_ =	shalt  }
0x45: {  	_ =	shalt  }
0x46: {  	_ =	shalt  }
0x47: {  	_ =	shalt  }
0x48: {  	_ =	shalt  }
0x49: {  	_ =	shalt  }
0x4a: {  	_ =	shalt  }
0x4b: {  	_ =	shalt  }
0x4c: {  	_ =	shalt  }
0x4d: {  	_ =	shalt  }
0x4e: {  	_ =	shalt  }
0x4f: {  	_ =	shalt  }
0x50: {  	_ =	shalt  }
0x51: {  	_ =	shalt  }
0x52: {  	_ =	shalt  }
0x53: {  	_ =	shalt  }
0x54: {  	_ =	shalt  }
0x55: {  	_ =	shalt  }
0x56: {  	_ =	shalt  }
0x57: {  	_ =	shalt  }
0x58: {  	_ =	shalt  }
0x59: {  	_ =	shalt  }
0x5a: {  	_ =	shalt  }
0x5b: {  	_ =	shalt  }
0x5c: {  	_ =	shalt  }
0x5d: {  	_ =	shalt  }
0x5e: {  	_ =	shalt  }
0x5f: {  	_ =	shalt  }
0x60: {  	_ =	shalt  }
0x61: {  	_ =	shalt  }
0x62: {  	_ =	shalt  }
0x63: {  	_ =	shalt  }
0x64: {  	_ =	shalt  }
0x65: {  	_ =	shalt  }
0x66: {  	_ =	shalt  }
0x67: {  	_ =	shalt  }
0x68: {  	_ =	shalt  }
0x69: {  	_ =	shalt  }
0x6a: {  	_ =	shalt  }
0x6b: {  	_ =	shalt  }
0x6c: {  	_ =	shalt  }
0x6d: {  	_ =	shalt  }
0x6e: {  	_ =	shalt  }
0x6f: {  	_ =	shalt  }
0x70: {  	_ =	shalt  }
0x71: {  	_ =	shalt  }
0x72: {  	_ =	shalt  }
0x73: {  	_ =	shalt  }
0x74: {  	_ =	shalt  }
0x75: {  	_ =	shalt  }
0x76: {  	_ =	shalt  }
0x77: {  	_ =	shalt  }
0x78: {  	_ =	shalt  }
0x79: {  	_ =	shalt  }
0x7a: {  	_ =	shalt  }
0x7b: {  	_ =	shalt  }
0x7c: {  	_ =	shalt  }
0x7d: {  	_ =	shalt  }
0x7e: {  	_ =	shalt  }
0x7f: {  	_ =	shalt  }
0x80: {  	_ =	shalt  }
0x81: {  	_ =	shalt  }
0x82: {  	_ =	shalt  }
0x83: {  	_ =	shalt  }
0x84: {  	_ =	shalt  }
0x85: {  	_ =	shalt  }
0x86: {  	_ =	shalt  }
0x87: {  	_ =	shalt  }
.Lfunc_end0:
.L_simem_size_0:
called_computation_lowered:
.L_overlay_start_0:
0x88: {  	s2 =	sld [smem:$0x3FD9]  }
0x89: {  	s3 =	sld [smem:$0x3FFE];
	_ =	sdelay $0x1  }
0x8a: {  	s1 =	srdreg.scid  }
0x8b: {  	s0 =	sand.u32 $0x1, s1  }
0x8c: {  	s14 =	sshll.u32 s0, $0xA;
	s2 =	sadd.s32 s3, s2  }
0x8d: {  	s2 =	sadd.s32 s2, s14  }
0x8e: {  	[smem:$0x3FC2] =	sst s2  }
0x8f: {  	_ = 	snop  }
0x90: {  	s2 =	sld [smem:$0x3FD0];
	_ =	sdelay $0x2  }
0x91: {  	s15 =	simm.s32 $0xA;
	s4 =	simm.s32 $0x10  }
0x92: {  	[smem:s4], [sflag:s15] =	dma.local [hbm:s2], $0x1  }
0x93: {  	_ =	swait.eq [sflag:s15], $0x1  }
0x94: {  	[sflag:s15] =	ssyncset.done $0x0  }
0x95: {  	[sflag:s15] =	ssyncadd.s32 $0xFFFFFFFF  }
0x96: {  	s16 =	sld [smem:$0x11];
	(tm) =	ssettm $0x1  }
0x97: {  	s17 =	sld [smem:$0x3FFB];
	_ =	sdelay $0x3  }
0x98: {  	_ =	strace s17  }
0x99: {  	s3 =	sld [smem:$0x3FFC];
	_ =	sdelay $0x3  }
0x9a: {  	_ =	strace s3  }
0x9b: {  	s3 =	sld [smem:$0x3FFD];
	_ =	sdelay $0x3  }
0x9c: {  	_ =	strace s3  }
0x9d: {  	_ =	strace $0x8FFFFFFF  }
0x9e: {  	s18 =	sld [smem:$0x3FDB];
	_ =	sdelay $0x1  }
0x9f: {  	s19 =	simm.s32 $_scs_section_size  }
0xa0: {  	s5 =	simm.s32 $_size__tile_overlayer_lowered;
	s6 =	simm.s32 $_tile_overlayer_lowered  }
0xa1: {  	s22 =	simm.s32 $0x1BFF;
	s21 =	sshll.u32 s6, $0x1;
	s3 =	sadd.s32 s19, s18  }
0xa2: {  	s7 =	simm.s32 $0x0;
	s20 =	sshll.u32 s5, $0x1;
	s5 =	sadd.s32 s21, s3  }
0xa3: {  	[timem:s7], [sflag:s22] =	dma.local [hbm:s5], s20  }
0xa4: {  	_ =	swait.ge [sflag:s22], s20  }
0xa5: {  	s4 =	ssub.s32 $0x0, s20;
	[sflag:s22] =	ssyncset.done $0x0  }
0xa6: {  	[sflag:s22] =	ssyncadd.s32 s4;
	_ =	sdelay $0x1  }
0xa7: {  	s23 =	simm.s32 $0x1B8B  }
0xa8: {  	_ =	swait.ge [sflag:s23], $0x1  }
0xa9: {  	[sflag:s23] =	ssyncset.done $0x0  }
0xaa: {  	s25 =	simm.s32 $0x1B8E;
	s24 =	sld [smem:$0x3FFE];
	[sflag:s23] =	ssyncadd.s32 $0xFFFFFFFF  }
0xab: {  	s26 =	simm.s32 $execute0_lowered;
	[smem:$0x3FD2] =	sst s25  }
0xac: {  	s5 =	sshll.u32 s26, $0x1;
	_ =	strace $0x80000046;
	[dreg:$0x1] =	wrdreg $0xFFFFFFFF  }
0xad: {  	s28 =	simm.s32 $_size_execute0_lowered;
	s3 =	sadd.s32 s3, s5;
	[dreg:$0x0] =	wrdreg $0x0  }
0xae: {  	s5 =	sshll.u32 s28, $0x1;
	[dreg:$0x2] =	wrdreg s3  }
0xaf: {  	[dreg:$0x3] =	wrdreg s5  }
0xb0: {  	[dreg:$0x4] =	wrdreg $0xC0  }
0xb1: {  	_ =	task [dreg:s7], $0x5FFFF  }
0xb2: {  	[dreg:$0x1] =	wrdreg $0xFFFFFFFF  }
0xb3: {  	[dreg:$0x0] =	wrdreg $0x60  }
0xb4: {  	[dreg:$0x2] =	wrdreg s24  }
0xb5: {  	[dreg:$0x3] =	wrdreg s16  }
0xb6: {  	[dreg:$0x4] =	wrdreg $0x9  }
0xb7: {  	_ =	task.clear_ibuf [dreg:s7], $0x5FFFF;
	_ =	strace $0x90000046  }
0xb8: {  	s29 =	simm.s32 $0x9;
	_ =	strace $0x80000048  }
0xb9: {  	_ =	swait.ge [sflag:s29], $0x1  }
0xba: {  	[sflag:s29] =	ssyncadd.s32 $0xFFFFFFFF  }
0xbb: {  	_ =	strace $0x90000048  }
0xbc: {  	_ =	sfence  }
0xbd: {  	s30 =	sld [smem:$0x0];
	_ =	sdelay $0x2  }
0xbe: {  	s31 =	sshll.u32 s1, $0xD;
	s1 =	sshrl.u32 s1, $0x2  }
0xbf: {  	s3 =	sand.u32 $0x4000, s31;
	s1 =	sadd.s32 s1, s30  }
0xc0: {  	s0 =	sor.u32 s3, s0;
	s1 =	sshll.u32 s1, $0x11  }
0xc1: {  	s0 =	sor.u32 s1, s0  }
0xc2: {  	s0 =	sadd.s32 $0x8F2B, s0  }
0xc3: {  	[sflag:s0] =	ssyncadd.remote.s32 $0x1  }
0xc4: {  	_ =	sfence.sel $0xFFFF  }
0xc5: {  	[dreg:$0x0] =	wrdreg $0xFFFFFFFF;
	(pc) =	sbr.abs _section_cstart, $3  }
0xc6: {  	[dreg:$0x1] =	wrdreg $0xFFFFFFFF  }
0xc7: {  	_ =	task.clear_ibuf [dreg:s7], $0x2FFFF;
	_ =	strace $0x9FFFFFFF  }
0xc8: {  	(tm) =	ssettm $0x7FFFFFFF  }
0xc9: {  	_ =	shalt  }
tec
execute0_lowered:
.L_overlay_start_1:
0x0: {  	(tag) =	ssettag $0x1  }
0x1: {  	s0 =	srdreg.scid  }
0x2: {  	s15 =	stileid.u32;
	s3 =	rddreg [dreg:$0x0]  }
0x3: {  	s4 =	rddreg [dreg:$0x1];
	s2 =	simm.s32 $0x0;
	s31 =	simm.s32 $0x5  }
0x4: {  	s19 =	simm.s32 $0x100;
	s20 =	simm.s32 $0x180;
	s21 =	simm.s32 $0x200  }
0x5: {  	s10 =	simm.s32 $0x1;
	s22 =	simm.s32 $0x280;
	[smem:$0x7FF] =	sst s2  }
0x6: {  	s23 =	simm.s32 $0x300;
	_ =	strace $0x80000047;
	[dreg:$0xb] =	wrdreg s19  }
0x7: {  	s24 =	simm.s32 $0x380;
	s25 =	simm.s32 $0x400;
	[dreg:$0xc] =	wrdreg s20  }
0x8: {  	s9 =	simm.s32 $0x2;
	s26 =	simm.s32 $0x480;
	[dreg:$0xd] =	wrdreg s21  }
0x9: {  	s8 =	simm.s32 $0x3;
	s30 =	simm.s32 $0x500;
	[dreg:$0xe] =	wrdreg s22  }
0xa: {  	s29 =	simm.s32 $0x700;
	p0 =	por $0x0, $0x0;
	[dreg:$0xf] =	wrdreg s23  }
0xb: {  	s0 =	sand.u32 $0x1, s0;
	s1 =	sshll.u32 s15, $0x1;
	[dreg:$0x10] =	wrdreg s24  }
0xc: {  	s7 =	sadd.s32 $0x1800, s3;
	s3 =	sadd.s32 $0xF43C00, s3;
	[dreg:$0x11] =	wrdreg s25  }
0xd: {  	s1 =	sor.u32 s0, s1;
	s0 =	ssub.s32 $0x2, s0;
	[dreg:$0x12] =	wrdreg s26  }
0xe: {  	s22 =	simm.s32 $0x580;
	s25 =	simm.s32 $0x600;
	s26 =	simm.s32 $0x680  }
0xf: {  	s23 =	simm.s32 $0x800;
	s24 =	simm.s32 $0x880;
	s5 =	smul.u32 $0x180, s1  }
0x10: {  	s19 =	simm.s32 $0x900;
	s20 =	simm.s32 $0x980;
	s6 =	smul.u32 $0xC000, s1  }
0x11: {  	s21 =	simm.s32 $0xA00;
	s1 =	smul.u32 $0x60000, s1;
	s17 =	sshrl.u32 s0, $0x1  }
0x12: {  	s0 =	ssub.s32 s0, s17;
	s17 =	simm.s32 $0xB00;
	s4 =	sadd.s32 s4, s5  }
0x13: {  	s28 =	sadd.s32 s7, s6;
	s1 =	sshrl.u32 s1, $0x3;
	s0 =	smax.u32 s0, $0x1  }
0x14: {  	s6 =	simm.s32 $0xC00;
	[dreg:$0x3] =	wrdreg s4;
	s11 =	sadd.s32 $0x1800, s28  }
0x15: {  	s12 =	sadd.s32 $0x3000, s28;
	s1 =	sadd.s32 s7, s1;
	[dreg:$0x4] =	wrdreg s11  }
0x16: {  	s5 =	simm.s32 $0xCC00;
	[dreg:$0x5] =	wrdreg s12;
	s13 =	sadd.s32 $0x4800, s1  }
0x17: {  	s4 =	simm.s32 $0x80;
	s14 =	sadd.s32 $0x6000, s1;
	[dreg:$0x6] =	wrdreg s13  }
0x18: {  	p1 =	sne.s32 s0, $0x1;
	s16 =	sadd.s32 $0x7800, s1;
	[dreg:$0x7] =	wrdreg s14  }
.Ltmp0:
0x19: {  	s18 =	sadd.s32 $0x9000, s1;
	[dreg:$0x8] =	wrdreg s16;
	(pc) =	sbr.rel @!p1 .LBB2_1-.Ltmp0, $4  }
0x1a: {  	s7 =	simm.s32 $0x4;
	s1 =	sadd.s32 $0xA800, s1;
	[dreg:$0x9] =	wrdreg s18  }
0x1b: {  	s11 =	simm.s32 $0x10C00;
	s12 =	simm.s32 $0x14C00;
	[dreg:$0xa] =	wrdreg s1  }
0x1c: {  	s13 =	simm.s32 $0x4C00;
	s14 =	simm.s32 $0x8C00;
	s1 =	sadd.s32 $0xFFFFFFFF, s0  }
0x1d: {  	s16 =	simm.s32 $0xA80;
	s18 =	simm.s32 $0xB80;
	s0 =	rddreg [dreg:$0x3]  }
0x1e: {  	[tilespmem:s2], [sflag:$0x5] =	stream.linear.gather [hbm4b:s0+s2], $0xC00, $0x38;
	[tilespmem:$0x18C00] =	vst v63  }
0x1f: {  	_ =	swait.ge [sflag:s31], $0xC00  }
0x20: {  	[sflag:s31] =	ssyncset.done $0x0  }
0x21: {  	[sflag:s31] =	ssyncadd.s32 $0xFFFFF400  }
0x22: {  	[tilespmem:s6], [sflag:$0x1] =	stream.indirect.gather [hbm4b:s3+s4], $0x80, s2, s4, $0xb8;
	[tilespmem:$0x18C00] =	vst v63  }
0x23: {  	_ = 	snop  }
0x24: {  	[tilespmem:s13], [sflag:$0x1] =	stream.indirect.gather [hbm4b:s3+s4], $0x80, s4, s4, $0xb8;
	[tilespmem:$0x18C00] =	vst v63  }
0x25: {  	s15 =	rddreg [dreg:$0xb]  }
0x26: {  	[tilespmem:s14], [sflag:$0x1] =	stream.indirect.gather [hbm4b:s3+s4], $0x80, s15, s4, $0xb8;
	[tilespmem:$0x18C00] =	vst v63  }
0x27: {  	_ =	swait.ge [sflag:s10], $0x4000  }
0x28: {  	[sflag:s10] =	ssyncset.done $0x0  }
0x29: {  	[sflag:s10] =	ssyncadd.s32 $0xFFFFC000  }
0x2a: {  	_ =	swait.ge [sflag:s10], $0x4000  }
0x2b: {  	[sflag:s10] =	ssyncset.done $0x0  }
0x2c: {  	[sflag:s10] =	ssyncadd.s32 $0xFFFFC000  }
0x2d: {  	_ =	swait.ge [sflag:s10], $0x4000  }
0x2e: {  	[sflag:s10] =	ssyncset.done $0x0  }
0x2f: {  	[sflag:s10] =	ssyncadd.s32 $0xFFFFC000  }
0x30: {  	[hbm4b:s28+s2] =	stream.linear.scatter [tilespmem:s6], [sflag:$0x3], $0xC000, $0x38;
	[tilespmem:$0x18C00] =	vst v63  }
0x31: {  	s0 =	rddreg [dreg:$0xc]  }
0x32: {  	[tilespmem:s5], [sflag:$0x2] =	stream.indirect.gather [hbm4b:s3+s4], $0x80, s0, s4, $0xb8;
	[tilespmem:$0x18C00] =	vst v63  }
0x33: {  	s15 =	smov.u32 s1;
	s1 =	rddreg [dreg:$0xd]  }
0x34: {  	[tilespmem:s11], [sflag:$0x2] =	stream.indirect.gather [hbm4b:s3+s4], $0x80, s1, s4, $0xb8;
	[tilespmem:$0x18C00] =	vst v63  }
0x35: {  	s0 =	rddreg [dreg:$0xe]  }
0x36: {  	[tilespmem:s12], [sflag:$0x2] =	stream.indirect.gather [hbm4b:s3+s4], $0x80, s0, s4, $0xb8;
	[tilespmem:$0x18C00] =	vst v63  }
0x37: {  	_ =	swait.ge [sflag:s9], $0x4000  }
0x38: {  	[sflag:s9] =	ssyncset.done $0x0  }
0x39: {  	[sflag:s9] =	ssyncadd.s32 $0xFFFFC000  }
0x3a: {  	_ =	swait.ge [sflag:s9], $0x4000  }
0x3b: {  	[sflag:s9] =	ssyncset.done $0x0  }
0x3c: {  	[sflag:s9] =	ssyncadd.s32 $0xFFFFC000  }
0x3d: {  	_ =	swait.ge [sflag:s9], $0x4000  }
0x3e: {  	[sflag:s9] =	ssyncset.done $0x0  }
0x3f: {  	s1 =	rddreg [dreg:$0x4];
	[sflag:s9] =	ssyncadd.s32 $0xFFFFC000  }
0x40: {  	[hbm4b:s1+s2] =	stream.linear.scatter [tilespmem:s5], [sflag:$0x4], $0xC000, $0x38;
	[tilespmem:$0x18C00] =	vst v63  }
0x41: {  	_ =	swait.ge [sflag:s8], $0xC000  }
0x42: {  	[sflag:s8] =	ssyncset.done $0x0  }
0x43: {  	s0 =	rddreg [dreg:$0xf];
	[sflag:s8] =	ssyncadd.s32 $0xFFFF4000  }
0x44: {  	[tilespmem:s6], [sflag:$0x1] =	stream.indirect.gather [hbm4b:s3+s4], $0x80, s0, s4, $0xb8;
	[tilespmem:$0x18C00] =	vst v63  }
0x45: {  	s1 =	rddreg [dreg:$0x10]  }
0x46: {  	[tilespmem:s13], [sflag:$0x1] =	stream.indirect.gather [hbm4b:s3+s4], $0x80, s1, s4, $0xb8;
	[tilespmem:$0x18C00] =	vst v63  }
0x47: {  	s0 =	rddreg [dreg:$0x11]  }
0x48: {  	[tilespmem:s14], [sflag:$0x1] =	stream.indirect.gather [hbm4b:s3+s4], $0x80, s0, s4, $0xb8;
	[tilespmem:$0x18C00] =	vst v63  }
0x49: {  	_ =	swait.ge [sflag:s10], $0x4000  }
0x4a: {  	[sflag:s10] =	ssyncset.done $0x0  }
0x4b: {  	[sflag:s10] =	ssyncadd.s32 $0xFFFFC000  }
0x4c: {  	_ =	swait.ge [sflag:s10], $0x4000  }
0x4d: {  	[sflag:s10] =	ssyncset.done $0x0  }
0x4e: {  	[sflag:s10] =	ssyncadd.s32 $0xFFFFC000  }
0x4f: {  	_ =	swait.ge [sflag:s10], $0x4000  }
0x50: {  	[sflag:s10] =	ssyncset.done $0x0  }
0x51: {  	s1 =	rddreg [dreg:$0x5];
	[sflag:s10] =	ssyncadd.s32 $0xFFFFC000  }
0x52: {  	[hbm4b:s1+s2] =	stream.linear.scatter [tilespmem:s6], [sflag:$0x3], $0xC000, $0x38;
	[tilespmem:$0x18C00] =	vst v63  }
0x53: {  	_ =	swait.ge [sflag:s7], $0xC000  }
0x54: {  	[sflag:s7] =	ssyncset.done $0x0  }
0x55: {  	s1 =	rddreg [dreg:$0x12];
	[sflag:s7] =	ssyncadd.s32 $0xFFFF4000  }
0x56: {  	[tilespmem:s5], [sflag:$0x2] =	stream.indirect.gather [hbm4b:s3+s4], $0x80, s1, s4, $0xb8;
	[tilespmem:$0x18C00] =	vst v63  }
0x57: {  	_ = 	snop  }
0x58: {  	[tilespmem:s11], [sflag:$0x2] =	stream.indirect.gather [hbm4b:s3+s4], $0x80, s30, s4, $0xb8;
	[tilespmem:$0x18C00] =	vst v63  }
0x59: {  	_ = 	snop  }
0x5a: {  	[tilespmem:s12], [sflag:$0x2] =	stream.indirect.gather [hbm4b:s3+s4], $0x80, s22, s4, $0xb8;
	[tilespmem:$0x18C00] =	vst v63  }
0x5b: {  	_ =	swait.ge [sflag:s9], $0x4000  }
0x5c: {  	[sflag:s9] =	ssyncset.done $0x0  }
0x5d: {  	[sflag:s9] =	ssyncadd.s32 $0xFFFFC000  }
0x5e: {  	_ =	swait.ge [sflag:s9], $0x4000  }
0x5f: {  	[sflag:s9] =	ssyncset.done $0x0  }
0x60: {  	[sflag:s9] =	ssyncadd.s32 $0xFFFFC000  }
0x61: {  	_ =	swait.ge [sflag:s9], $0x4000  }
0x62: {  	[sflag:s9] =	ssyncset.done $0x0  }
0x63: {  	s1 =	rddreg [dreg:$0x6];
	[sflag:s9] =	ssyncadd.s32 $0xFFFFC000  }
0x64: {  	[hbm4b:s1+s2] =	stream.linear.scatter [tilespmem:s5], [sflag:$0x4], $0xC000, $0x38;
	[tilespmem:$0x18C00] =	vst v63  }
0x65: {  	_ =	swait.ge [sflag:s8], $0xC000  }
0x66: {  	[sflag:s8] =	ssyncset.done $0x0  }
0x67: {  	[sflag:s8] =	ssyncadd.s32 $0xFFFF4000  }
0x68: {  	[tilespmem:s6], [sflag:$0x1] =	stream.indirect.gather [hbm4b:s3+s4], $0x80, s25, s4, $0xb8;
	[tilespmem:$0x18C00] =	vst v63  }
0x69: {  	_ = 	snop  }
0x6a: {  	[tilespmem:s13], [sflag:$0x1] =	stream.indirect.gather [hbm4b:s3+s4], $0x80, s26, s4, $0xb8;
	[tilespmem:$0x18C00] =	vst v63  }
0x6b: {  	_ = 	snop  }
0x6c: {  	[tilespmem:s14], [sflag:$0x1] =	stream.indirect.gather [hbm4b:s3+s4], $0x80, s29, s4, $0xb8;
	[tilespmem:$0x18C00] =	vst v63  }
0x6d: {  	_ =	swait.ge [sflag:s10], $0x4000  }
0x6e: {  	[sflag:s10] =	ssyncset.done $0x0  }
0x6f: {  	[sflag:s10] =	ssyncadd.s32 $0xFFFFC000  }
0x70: {  	_ =	swait.ge [sflag:s10], $0x4000  }
0x71: {  	[sflag:s10] =	ssyncset.done $0x0  }
0x72: {  	[sflag:s10] =	ssyncadd.s32 $0xFFFFC000  }
0x73: {  	_ =	swait.ge [sflag:s10], $0x4000  }
0x74: {  	[sflag:s10] =	ssyncset.done $0x0  }
0x75: {  	s1 =	rddreg [dreg:$0x7];
	[sflag:s10] =	ssyncadd.s32 $0xFFFFC000  }
0x76: {  	[hbm4b:s1+s2] =	stream.linear.scatter [tilespmem:s6], [sflag:$0x3], $0xC000, $0x38;
	[tilespmem:$0x18C00] =	vst v63  }
0x77: {  	_ =	swait.ge [sflag:s7], $0xC000  }
0x78: {  	[sflag:s7] =	ssyncset.done $0x0  }
0x79: {  	s1 =	simm.s32 $0x780;
	[sflag:s7] =	ssyncadd.s32 $0xFFFF4000  }
0x7a: {  	[tilespmem:s5], [sflag:$0x2] =	stream.indirect.gather [hbm4b:s3+s4], $0x80, s1, s4, $0xb8;
	[tilespmem:$0x18C00] =	vst v63  }
0x7b: {  	_ = 	snop  }
0x7c: {  	[tilespmem:s11], [sflag:$0x2] =	stream.indirect.gather [hbm4b:s3+s4], $0x80, s23, s4, $0xb8;
	[tilespmem:$0x18C00] =	vst v63  }
0x7d: {  	_ = 	snop  }
0x7e: {  	[tilespmem:s12], [sflag:$0x2] =	stream.indirect.gather [hbm4b:s3+s4], $0x80, s24, s4, $0xb8;
	[tilespmem:$0x18C00] =	vst v63  }
0x7f: {  	_ =	swait.ge [sflag:s9], $0x4000  }
0x80: {  	[sflag:s9] =	ssyncset.done $0x0  }
0x81: {  	[sflag:s9] =	ssyncadd.s32 $0xFFFFC000  }
0x82: {  	_ =	swait.ge [sflag:s9], $0x4000  }
0x83: {  	[sflag:s9] =	ssyncset.done $0x0  }
0x84: {  	[sflag:s9] =	ssyncadd.s32 $0xFFFFC000  }
0x85: {  	_ =	swait.ge [sflag:s9], $0x4000  }
0x86: {  	[sflag:s9] =	ssyncset.done $0x0  }
0x87: {  	s1 =	rddreg [dreg:$0x8];
	[sflag:s9] =	ssyncadd.s32 $0xFFFFC000  }
0x88: {  	[hbm4b:s1+s2] =	stream.linear.scatter [tilespmem:s5], [sflag:$0x4], $0xC000, $0x38;
	[tilespmem:$0x18C00] =	vst v63  }
0x89: {  	_ =	swait.ge [sflag:s8], $0xC000  }
0x8a: {  	[sflag:s8] =	ssyncset.done $0x0  }
0x8b: {  	[sflag:s8] =	ssyncadd.s32 $0xFFFF4000  }
0x8c: {  	[tilespmem:s6], [sflag:$0x1] =	stream.indirect.gather [hbm4b:s3+s4], $0x80, s19, s4, $0xb8;
	[tilespmem:$0x18C00] =	vst v63  }
0x8d: {  	_ = 	snop  }
0x8e: {  	[tilespmem:s13], [sflag:$0x1] =	stream.indirect.gather [hbm4b:s3+s4], $0x80, s20, s4, $0xb8;
	[tilespmem:$0x18C00] =	vst v63  }
0x8f: {  	_ = 	snop  }
0x90: {  	[tilespmem:s14], [sflag:$0x1] =	stream.indirect.gather [hbm4b:s3+s4], $0x80, s21, s4, $0xb8;
	[tilespmem:$0x18C00] =	vst v63  }
0x91: {  	_ =	swait.ge [sflag:s10], $0x4000  }
0x92: {  	[sflag:s10] =	ssyncset.done $0x0  }
0x93: {  	[sflag:s10] =	ssyncadd.s32 $0xFFFFC000  }
0x94: {  	_ =	swait.ge [sflag:s10], $0x4000  }
0x95: {  	[sflag:s10] =	ssyncset.done $0x0  }
0x96: {  	[sflag:s10] =	ssyncadd.s32 $0xFFFFC000  }
0x97: {  	_ =	swait.ge [sflag:s10], $0x4000  }
0x98: {  	[sflag:s10] =	ssyncset.done $0x0  }
0x99: {  	s1 =	rddreg [dreg:$0x9];
	[sflag:s10] =	ssyncadd.s32 $0xFFFFC000  }
0x9a: {  	[hbm4b:s1+s2] =	stream.linear.scatter [tilespmem:s6], [sflag:$0x3], $0xC000, $0x38;
	[tilespmem:$0x18C00] =	vst v63  }
0x9b: {  	_ =	swait.ge [sflag:s7], $0xC000  }
0x9c: {  	[sflag:s7] =	ssyncset.done $0x0  }
0x9d: {  	[sflag:s7] =	ssyncadd.s32 $0xFFFF4000  }
0x9e: {  	[tilespmem:s5], [sflag:$0x2] =	stream.indirect.gather [hbm4b:s3+s4], $0x80, s16, s4, $0xb8;
	[tilespmem:$0x18C00] =	vst v63  }
0x9f: {  	_ = 	snop  }
0xa0: {  	[tilespmem:s11], [sflag:$0x2] =	stream.indirect.gather [hbm4b:s3+s4], $0x80, s17, s4, $0xb8;
	[tilespmem:$0x18C00] =	vst v63  }
0xa1: {  	_ = 	snop  }
0xa2: {  	[tilespmem:s12], [sflag:$0x2] =	stream.indirect.gather [hbm4b:s3+s4], $0x80, s18, s4, $0xb8;
	[tilespmem:$0x18C00] =	vst v63  }
0xa3: {  	_ =	swait.ge [sflag:s9], $0x4000  }
0xa4: {  	[sflag:s9] =	ssyncset.done $0x0  }
0xa5: {  	[sflag:s9] =	ssyncadd.s32 $0xFFFFC000  }
0xa6: {  	_ =	swait.ge [sflag:s9], $0x4000  }
0xa7: {  	[sflag:s9] =	ssyncset.done $0x0  }
0xa8: {  	[sflag:s9] =	ssyncadd.s32 $0xFFFFC000  }
0xa9: {  	_ =	swait.ge [sflag:s9], $0x4000  }
0xaa: {  	[sflag:s9] =	ssyncset.done $0x0  }
0xab: {  	p1 =	sne.s32 s15, $0x1;
	s1 =	rddreg [dreg:$0xa];
	[sflag:s9] =	ssyncadd.s32 $0xFFFFC000  }
0xac: {  	[hbm4b:s1+s2] =	stream.linear.scatter [tilespmem:s5], [sflag:$0x4], $0xC000, $0x38;
	[tilespmem:$0x18C00] =	vst v63  }
.Ltmp1:
0xad: {  	_ =	swait.ge [sflag:s8], $0xC000;
	(pc) =	sbr.rel @!p1 .LBB2_3-.Ltmp1, $4  }
0xae: {  	[sflag:s8] =	ssyncset.done $0x0  }
0xaf: {  	[sflag:s8] =	ssyncadd.s32 $0xFFFF4000  }
0xb0: {  	p0 =	por $0x1, $0x1;
	_ =	swait.ge [sflag:s7], $0xC000  }
0xb1: {  	s1 =	sadd.s32 $0xFFFFFFFF, s15;
	s0 =	rddreg [dreg:$0x3];
	[sflag:s7] =	ssyncset.done $0x0  }
.LBB2_4:
0xb2: {  	[sflag:s7] =	ssyncadd.s32 $0xFFFF4000  }
0xb3: {  	[tilespmem:s2], [sflag:$0x5] =	stream.linear.gather [hbm4b:s0+s2], $0xC00, $0x38;
	[tilespmem:$0x18C00] =	vst v63  }
0xb4: {  	_ =	swait.ge [sflag:s31], $0xC00  }
0xb5: {  	[sflag:s31] =	ssyncset.done $0x0  }
0xb6: {  	[sflag:s31] =	ssyncadd.s32 $0xFFFFF400  }
0xb7: {  	[tilespmem:s6], [sflag:$0x1] =	stream.indirect.gather [hbm4b:s3+s4], $0x80, s2, s4, $0xb8;
	[tilespmem:$0x18C00] =	vst v63  }
0xb8: {  	_ = 	snop  }
0xb9: {  	[tilespmem:s13], [sflag:$0x1] =	stream.indirect.gather [hbm4b:s3+s4], $0x80, s4, s4, $0xb8;
	[tilespmem:$0x18C00] =	vst v63  }
0xba: {  	s15 =	rddreg [dreg:$0xb]  }
0xbb: {  	[tilespmem:s14], [sflag:$0x1] =	stream.indirect.gather [hbm4b:s3+s4], $0x80, s15, s4, $0xb8;
	[tilespmem:$0x18C00] =	vst v63  }
0xbc: {  	_ =	swait.ge [sflag:s10], $0x4000  }
0xbd: {  	[sflag:s10] =	ssyncset.done $0x0  }
0xbe: {  	[sflag:s10] =	ssyncadd.s32 $0xFFFFC000  }
0xbf: {  	_ =	swait.ge [sflag:s10], $0x4000  }
0xc0: {  	[sflag:s10] =	ssyncset.done $0x0  }
0xc1: {  	[sflag:s10] =	ssyncadd.s32 $0xFFFFC000  }
0xc2: {  	_ =	swait.ge [sflag:s10], $0x4000  }
0xc3: {  	[sflag:s10] =	ssyncset.done $0x0  }
0xc4: {  	[sflag:s10] =	ssyncadd.s32 $0xFFFFC000  }
0xc5: {  	[hbm4b:s28+s2] =	stream.linear.scatter [tilespmem:s6], [sflag:$0x3], $0xC000, $0x38;
	[tilespmem:$0x18C00] =	vst v63  }
0xc6: {  	s0 =	rddreg [dreg:$0xc]  }
0xc7: {  	[tilespmem:s5], [sflag:$0x2] =	stream.indirect.gather [hbm4b:s3+s4], $0x80, s0, s4, $0xb8;
	[tilespmem:$0x18C00] =	vst v63  }
0xc8: {  	s15 =	rddreg [dreg:$0xd]  }
0xc9: {  	[tilespmem:s11], [sflag:$0x2] =	stream.indirect.gather [hbm4b:s3+s4], $0x80, s15, s4, $0xb8;
	[tilespmem:$0x18C00] =	vst v63  }
0xca: {  	s0 =	rddreg [dreg:$0xe]  }
0xcb: {  	[tilespmem:s12], [sflag:$0x2] =	stream.indirect.gather [hbm4b:s3+s4], $0x80, s0, s4, $0xb8;
	[tilespmem:$0x18C00] =	vst v63  }
0xcc: {  	_ =	swait.ge [sflag:s9], $0x4000  }
0xcd: {  	[sflag:s9] =	ssyncset.done $0x0  }
0xce: {  	[sflag:s9] =	ssyncadd.s32 $0xFFFFC000  }
0xcf: {  	_ =	swait.ge [sflag:s9], $0x4000  }
0xd0: {  	[sflag:s9] =	ssyncset.done $0x0  }
0xd1: {  	[sflag:s9] =	ssyncadd.s32 $0xFFFFC000  }
0xd2: {  	_ =	swait.ge [sflag:s9], $0x4000  }
0xd3: {  	[sflag:s9] =	ssyncset.done $0x0  }
0xd4: {  	s15 =	rddreg [dreg:$0x4];
	[sflag:s9] =	ssyncadd.s32 $0xFFFFC000  }
0xd5: {  	[hbm4b:s15+s2] =	stream.linear.scatter [tilespmem:s5], [sflag:$0x4], $0xC000, $0x38;
	[tilespmem:$0x18C00] =	vst v63  }
0xd6: {  	_ =	swait.ge [sflag:s8], $0xC000  }
0xd7: {  	[sflag:s8] =	ssyncset.done $0x0  }
0xd8: {  	s0 =	rddreg [dreg:$0xf];
	[sflag:s8] =	ssyncadd.s32 $0xFFFF4000  }
0xd9: {  	[tilespmem:s6], [sflag:$0x1] =	stream.indirect.gather [hbm4b:s3+s4], $0x80, s0, s4, $0xb8;
	[tilespmem:$0x18C00] =	vst v63  }
0xda: {  	s15 =	rddreg [dreg:$0x10]  }
0xdb: {  	[tilespmem:s13], [sflag:$0x1] =	stream.indirect.gather [hbm4b:s3+s4], $0x80, s15, s4, $0xb8;
	[tilespmem:$0x18C00] =	vst v63  }
0xdc: {  	s0 =	rddreg [dreg:$0x11]  }
0xdd: {  	[tilespmem:s14], [sflag:$0x1] =	stream.indirect.gather [hbm4b:s3+s4], $0x80, s0, s4, $0xb8;
	[tilespmem:$0x18C00] =	vst v63  }
0xde: {  	_ =	swait.ge [sflag:s10], $0x4000  }
0xdf: {  	[sflag:s10] =	ssyncset.done $0x0  }
0xe0: {  	[sflag:s10] =	ssyncadd.s32 $0xFFFFC000  }
0xe1: {  	_ =	swait.ge [sflag:s10], $0x4000  }
0xe2: {  	[sflag:s10] =	ssyncset.done $0x0  }
0xe3: {  	[sflag:s10] =	ssyncadd.s32 $0xFFFFC000  }
0xe4: {  	_ =	swait.ge [sflag:s10], $0x4000  }
0xe5: {  	[sflag:s10] =	ssyncset.done $0x0  }
0xe6: {  	s15 =	rddreg [dreg:$0x5];
	[sflag:s10] =	ssyncadd.s32 $0xFFFFC000  }
0xe7: {  	[hbm4b:s15+s2] =	stream.linear.scatter [tilespmem:s6], [sflag:$0x3], $0xC000, $0x38;
	[tilespmem:$0x18C00] =	vst v63  }
0xe8: {  	_ =	swait.ge [sflag:s7], $0xC000  }
0xe9: {  	[sflag:s7] =	ssyncset.done $0x0  }
0xea: {  	s15 =	rddreg [dreg:$0x12];
	[sflag:s7] =	ssyncadd.s32 $0xFFFF4000  }
0xeb: {  	[tilespmem:s5], [sflag:$0x2] =	stream.indirect.gather [hbm4b:s3+s4], $0x80, s15, s4, $0xb8;
	[tilespmem:$0x18C00] =	vst v63  }
0xec: {  	_ = 	snop  }
0xed: {  	[tilespmem:s11], [sflag:$0x2] =	stream.indirect.gather [hbm4b:s3+s4], $0x80, s30, s4, $0xb8;
	[tilespmem:$0x18C00] =	vst v63  }
0xee: {  	_ = 	snop  }
0xef: {  	[tilespmem:s12], [sflag:$0x2] =	stream.indirect.gather [hbm4b:s3+s4], $0x80, s22, s4, $0xb8;
	[tilespmem:$0x18C00] =	vst v63  }
0xf0: {  	_ =	swait.ge [sflag:s9], $0x4000  }
0xf1: {  	[sflag:s9] =	ssyncset.done $0x0  }
0xf2: {  	[sflag:s9] =	ssyncadd.s32 $0xFFFFC000  }
0xf3: {  	_ =	swait.ge [sflag:s9], $0x4000  }
0xf4: {  	[sflag:s9] =	ssyncset.done $0x0  }
0xf5: {  	[sflag:s9] =	ssyncadd.s32 $0xFFFFC000  }
0xf6: {  	_ =	swait.ge [sflag:s9], $0x4000  }
0xf7: {  	[sflag:s9] =	ssyncset.done $0x0  }
0xf8: {  	s15 =	rddreg [dreg:$0x6];
	[sflag:s9] =	ssyncadd.s32 $0xFFFFC000  }
0xf9: {  	[hbm4b:s15+s2] =	stream.linear.scatter [tilespmem:s5], [sflag:$0x4], $0xC000, $0x38;
	[tilespmem:$0x18C00] =	vst v63  }
0xfa: {  	_ =	swait.ge [sflag:s8], $0xC000  }
0xfb: {  	[sflag:s8] =	ssyncset.done $0x0  }
0xfc: {  	[sflag:s8] =	ssyncadd.s32 $0xFFFF4000  }
0xfd: {  	[tilespmem:s6], [sflag:$0x1] =	stream.indirect.gather [hbm4b:s3+s4], $0x80, s25, s4, $0xb8;
	[tilespmem:$0x18C00] =	vst v63  }
0xfe: {  	_ = 	snop  }
0xff: {  	[tilespmem:s13], [sflag:$0x1] =	stream.indirect.gather [hbm4b:s3+s4], $0x80, s26, s4, $0xb8;
	[tilespmem:$0x18C00] =	vst v63  }
0x100: {  	_ = 	snop  }
0x101: {  	[tilespmem:s14], [sflag:$0x1] =	stream.indirect.gather [hbm4b:s3+s4], $0x80, s29, s4, $0xb8;
	[tilespmem:$0x18C00] =	vst v63  }
0x102: {  	_ =	swait.ge [sflag:s10], $0x4000  }
0x103: {  	[sflag:s10] =	ssyncset.done $0x0  }
0x104: {  	[sflag:s10] =	ssyncadd.s32 $0xFFFFC000  }
0x105: {  	_ =	swait.ge [sflag:s10], $0x4000  }
0x106: {  	[sflag:s10] =	ssyncset.done $0x0  }
0x107: {  	[sflag:s10] =	ssyncadd.s32 $0xFFFFC000  }
0x108: {  	_ =	swait.ge [sflag:s10], $0x4000  }
0x109: {  	[sflag:s10] =	ssyncset.done $0x0  }
0x10a: {  	s15 =	rddreg [dreg:$0x7];
	[sflag:s10] =	ssyncadd.s32 $0xFFFFC000  }
0x10b: {  	[hbm4b:s15+s2] =	stream.linear.scatter [tilespmem:s6], [sflag:$0x3], $0xC000, $0x38;
	[tilespmem:$0x18C00] =	vst v63  }
0x10c: {  	_ =	swait.ge [sflag:s7], $0xC000  }
0x10d: {  	[sflag:s7] =	ssyncset.done $0x0  }
0x10e: {  	s15 =	simm.s32 $0x780;
	[sflag:s7] =	ssyncadd.s32 $0xFFFF4000  }
0x10f: {  	[tilespmem:s5], [sflag:$0x2] =	stream.indirect.gather [hbm4b:s3+s4], $0x80, s15, s4, $0xb8;
	[tilespmem:$0x18C00] =	vst v63  }
0x110: {  	_ = 	snop  }
0x111: {  	[tilespmem:s11], [sflag:$0x2] =	stream.indirect.gather [hbm4b:s3+s4], $0x80, s23, s4, $0xb8;
	[tilespmem:$0x18C00] =	vst v63  }
0x112: {  	_ = 	snop  }
0x113: {  	[tilespmem:s12], [sflag:$0x2] =	stream.indirect.gather [hbm4b:s3+s4], $0x80, s24, s4, $0xb8;
	[tilespmem:$0x18C00] =	vst v63  }
0x114: {  	_ =	swait.ge [sflag:s9], $0x4000  }
0x115: {  	[sflag:s9] =	ssyncset.done $0x0  }
0x116: {  	[sflag:s9] =	ssyncadd.s32 $0xFFFFC000  }
0x117: {  	_ =	swait.ge [sflag:s9], $0x4000  }
0x118: {  	[sflag:s9] =	ssyncset.done $0x0  }
0x119: {  	[sflag:s9] =	ssyncadd.s32 $0xFFFFC000  }
0x11a: {  	_ =	swait.ge [sflag:s9], $0x4000  }
0x11b: {  	[sflag:s9] =	ssyncset.done $0x0  }
0x11c: {  	s15 =	rddreg [dreg:$0x8];
	[sflag:s9] =	ssyncadd.s32 $0xFFFFC000  }
0x11d: {  	[hbm4b:s15+s2] =	stream.linear.scatter [tilespmem:s5], [sflag:$0x4], $0xC000, $0x38;
	[tilespmem:$0x18C00] =	vst v63  }
0x11e: {  	_ =	swait.ge [sflag:s8], $0xC000  }
0x11f: {  	[sflag:s8] =	ssyncset.done $0x0  }
0x120: {  	[sflag:s8] =	ssyncadd.s32 $0xFFFF4000  }
0x121: {  	[tilespmem:s6], [sflag:$0x1] =	stream.indirect.gather [hbm4b:s3+s4], $0x80, s19, s4, $0xb8;
	[tilespmem:$0x18C00] =	vst v63  }
0x122: {  	_ = 	snop  }
0x123: {  	[tilespmem:s13], [sflag:$0x1] =	stream.indirect.gather [hbm4b:s3+s4], $0x80, s20, s4, $0xb8;
	[tilespmem:$0x18C00] =	vst v63  }
0x124: {  	_ = 	snop  }
0x125: {  	[tilespmem:s14], [sflag:$0x1] =	stream.indirect.gather [hbm4b:s3+s4], $0x80, s21, s4, $0xb8;
	[tilespmem:$0x18C00] =	vst v63  }
0x126: {  	_ =	swait.ge [sflag:s10], $0x4000  }
0x127: {  	[sflag:s10] =	ssyncset.done $0x0  }
0x128: {  	[sflag:s10] =	ssyncadd.s32 $0xFFFFC000  }
0x129: {  	_ =	swait.ge [sflag:s10], $0x4000  }
0x12a: {  	[sflag:s10] =	ssyncset.done $0x0  }
0x12b: {  	[sflag:s10] =	ssyncadd.s32 $0xFFFFC000  }
0x12c: {  	_ =	swait.ge [sflag:s10], $0x4000  }
0x12d: {  	[sflag:s10] =	ssyncset.done $0x0  }
0x12e: {  	s15 =	rddreg [dreg:$0x9];
	[sflag:s10] =	ssyncadd.s32 $0xFFFFC000  }
0x12f: {  	[hbm4b:s15+s2] =	stream.linear.scatter [tilespmem:s6], [sflag:$0x3], $0xC000, $0x38;
	[tilespmem:$0x18C00] =	vst v63  }
0x130: {  	_ =	swait.ge [sflag:s7], $0xC000  }
0x131: {  	[sflag:s7] =	ssyncset.done $0x0  }
0x132: {  	[sflag:s7] =	ssyncadd.s32 $0xFFFF4000  }
0x133: {  	[tilespmem:s5], [sflag:$0x2] =	stream.indirect.gather [hbm4b:s3+s4], $0x80, s16, s4, $0xb8;
	[tilespmem:$0x18C00] =	vst v63  }
0x134: {  	_ = 	snop  }
0x135: {  	[tilespmem:s11], [sflag:$0x2] =	stream.indirect.gather [hbm4b:s3+s4], $0x80, s17, s4, $0xb8;
	[tilespmem:$0x18C00] =	vst v63  }
0x136: {  	_ = 	snop  }
0x137: {  	[tilespmem:s12], [sflag:$0x2] =	stream.indirect.gather [hbm4b:s3+s4], $0x80, s18, s4, $0xb8;
	[tilespmem:$0x18C00] =	vst v63  }
0x138: {  	_ =	swait.ge [sflag:s9], $0x4000  }
0x139: {  	[sflag:s9] =	ssyncset.done $0x0  }
0x13a: {  	[sflag:s9] =	ssyncadd.s32 $0xFFFFC000  }
0x13b: {  	_ =	swait.ge [sflag:s9], $0x4000  }
0x13c: {  	[sflag:s9] =	ssyncset.done $0x0  }
0x13d: {  	[sflag:s9] =	ssyncadd.s32 $0xFFFFC000  }
0x13e: {  	_ =	swait.ge [sflag:s9], $0x4000  }
0x13f: {  	[sflag:s9] =	ssyncset.done $0x0  }
0x140: {  	p1 =	sne.s32 s1, $0x1;
	s15 =	rddreg [dreg:$0xa];
	[sflag:s9] =	ssyncadd.s32 $0xFFFFC000  }
0x141: {  	[hbm4b:s15+s2] =	stream.linear.scatter [tilespmem:s5], [sflag:$0x4], $0xC000, $0x38;
	[tilespmem:$0x18C00] =	vst v63  }
.Ltmp2:
0x142: {  	_ =	swait.ge [sflag:s8], $0xC000;
	(pc) =	sbr.rel @p1 .LBB2_4-.Ltmp2, $4  }
0x143: {  	[sflag:s8] =	ssyncset.done $0x0  }
0x144: {  	[sflag:s8] =	ssyncadd.s32 $0xFFFF4000  }
0x145: {  	_ =	swait.ge [sflag:s7], $0xC000  }
0x146: {  	s1 =	sadd.s32 $0xFFFFFFFF, s1;
	s0 =	rddreg [dreg:$0x3];
	[sflag:s7] =	ssyncset.done $0x0  }
0x147: {  	s18 =	simm.s32 $0x580;
	s30 =	simm.s32 $0x500  }
0x148: {  	s29 =	simm.s32 $0x700;
	s26 =	simm.s32 $0x680;
	s25 =	simm.s32 $0x600  }
0x149: {  	s24 =	simm.s32 $0x880;
	s23 =	simm.s32 $0x800;
	s22 =	simm.s32 $0x780  }
0x14a: {  	s21 =	simm.s32 $0xA00;
	s20 =	simm.s32 $0x980;
	s19 =	simm.s32 $0x900  }
0x14b: {  	s17 =	simm.s32 $0xB00;
	s16 =	simm.s32 $0xA80;
	s15 =	stileid.u32  }
.LBB2_6:
0x14c: {  	[sflag:s7] =	ssyncadd.s32 @p0 $0xFFFF4000  }
0x14d: {  	[tilespmem:s2], [sflag:$0x5] =	stream.linear.gather [hbm4b:s0+s2], $0xC00, $0x38;
	[tilespmem:$0x18C00] =	vst v63  }
0x14e: {  	_ =	swait.ge [sflag:s31], $0xC00  }
0x14f: {  	[sflag:s31] =	ssyncset.done $0x0  }
0x150: {  	[sflag:s31] =	ssyncadd.s32 $0xFFFFF400  }
0x151: {  	[tilespmem:s6], [sflag:$0x1] =	stream.indirect.gather [hbm4b:s3+s4], $0x80, s2, s4, $0xb8;
	[tilespmem:$0x18C00] =	vst v63  }
0x152: {  	_ = 	snop  }
0x153: {  	[tilespmem:s13], [sflag:$0x1] =	stream.indirect.gather [hbm4b:s3+s4], $0x80, s4, s4, $0xb8;
	[tilespmem:$0x18C00] =	vst v63  }
0x154: {  	s1 =	rddreg [dreg:$0xb]  }
0x155: {  	[tilespmem:s14], [sflag:$0x1] =	stream.indirect.gather [hbm4b:s3+s4], $0x80, s1, s4, $0xb8;
	[tilespmem:$0x18C00] =	vst v63  }
0x156: {  	_ =	swait.ge [sflag:s10], $0x4000  }
0x157: {  	[sflag:s10] =	ssyncset.done $0x0  }
0x158: {  	[sflag:s10] =	ssyncadd.s32 $0xFFFFC000  }
0x159: {  	_ =	swait.ge [sflag:s10], $0x4000  }
0x15a: {  	[sflag:s10] =	ssyncset.done $0x0  }
0x15b: {  	[sflag:s10] =	ssyncadd.s32 $0xFFFFC000  }
0x15c: {  	_ =	swait.ge [sflag:s10], $0x4000  }
0x15d: {  	[sflag:s10] =	ssyncset.done $0x0  }
0x15e: {  	[sflag:s10] =	ssyncadd.s32 $0xFFFFC000  }
0x15f: {  	[hbm4b:s28+s2] =	stream.linear.scatter [tilespmem:s6], [sflag:$0x3], $0xC000, $0x38;
	[tilespmem:$0x18C00] =	vst v63  }
0x160: {  	s31 =	rddreg [dreg:$0xc]  }
0x161: {  	[tilespmem:s5], [sflag:$0x2] =	stream.indirect.gather [hbm4b:s3+s4], $0x80, s31, s4, $0xb8;
	[tilespmem:$0x18C00] =	vst v63  }
0x162: {  	s1 =	rddreg [dreg:$0xd]  }
0x163: {  	[tilespmem:s11], [sflag:$0x2] =	stream.indirect.gather [hbm4b:s3+s4], $0x80, s1, s4, $0xb8;
	[tilespmem:$0x18C00] =	vst v63  }
0x164: {  	s31 =	rddreg [dreg:$0xe]  }
0x165: {  	[tilespmem:s12], [sflag:$0x2] =	stream.indirect.gather [hbm4b:s3+s4], $0x80, s31, s4, $0xb8;
	[tilespmem:$0x18C00] =	vst v63  }
0x166: {  	_ =	swait.ge [sflag:s9], $0x4000  }
0x167: {  	[sflag:s9] =	ssyncset.done $0x0  }
0x168: {  	[sflag:s9] =	ssyncadd.s32 $0xFFFFC000  }
0x169: {  	_ =	swait.ge [sflag:s9], $0x4000  }
0x16a: {  	[sflag:s9] =	ssyncset.done $0x0  }
0x16b: {  	[sflag:s9] =	ssyncadd.s32 $0xFFFFC000  }
0x16c: {  	_ =	swait.ge [sflag:s9], $0x4000  }
0x16d: {  	[sflag:s9] =	ssyncset.done $0x0  }
0x16e: {  	s1 =	rddreg [dreg:$0x4];
	[sflag:s9] =	ssyncadd.s32 $0xFFFFC000  }
0x16f: {  	[hbm4b:s1+s2] =	stream.linear.scatter [tilespmem:s5], [sflag:$0x4], $0xC000, $0x38;
	[tilespmem:$0x18C00] =	vst v63  }
0x170: {  	_ =	swait.ge [sflag:s8], $0xC000  }
0x171: {  	[sflag:s8] =	ssyncset.done $0x0  }
0x172: {  	s28 =	rddreg [dreg:$0xf];
	[sflag:s8] =	ssyncadd.s32 $0xFFFF4000  }
0x173: {  	[tilespmem:s6], [sflag:$0x1] =	stream.indirect.gather [hbm4b:s3+s4], $0x80, s28, s4, $0xb8;
	[tilespmem:$0x18C00] =	vst v63  }
0x174: {  	s31 =	rddreg [dreg:$0x10]  }
0x175: {  	[tilespmem:s13], [sflag:$0x1] =	stream.indirect.gather [hbm4b:s3+s4], $0x80, s31, s4, $0xb8;
	[tilespmem:$0x18C00] =	vst v63  }
0x176: {  	s28 =	rddreg [dreg:$0x11]  }
0x177: {  	[tilespmem:s14], [sflag:$0x1] =	stream.indirect.gather [hbm4b:s3+s4], $0x80, s28, s4, $0xb8;
	[tilespmem:$0x18C00] =	vst v63  }
0x178: {  	_ =	swait.ge [sflag:s10], $0x4000  }
0x179: {  	[sflag:s10] =	ssyncset.done $0x0  }
0x17a: {  	[sflag:s10] =	ssyncadd.s32 $0xFFFFC000  }
0x17b: {  	_ =	swait.ge [sflag:s10], $0x4000  }
0x17c: {  	[sflag:s10] =	ssyncset.done $0x0  }
0x17d: {  	[sflag:s10] =	ssyncadd.s32 $0xFFFFC000  }
0x17e: {  	_ =	swait.ge [sflag:s10], $0x4000  }
0x17f: {  	[sflag:s10] =	ssyncset.done $0x0  }
0x180: {  	s31 =	rddreg [dreg:$0x5];
	[sflag:s10] =	ssyncadd.s32 $0xFFFFC000  }
0x181: {  	[hbm4b:s31+s2] =	stream.linear.scatter [tilespmem:s6], [sflag:$0x3], $0xC000, $0x38;
	[tilespmem:$0x18C00] =	vst v63  }
0x182: {  	_ =	swait.ge [sflag:s7], $0xC000  }
0x183: {  	[sflag:s7] =	ssyncset.done $0x0  }
0x184: {  	s1 =	rddreg [dreg:$0x12];
	[sflag:s7] =	ssyncadd.s32 $0xFFFF4000  }
0x185: {  	[tilespmem:s5], [sflag:$0x2] =	stream.indirect.gather [hbm4b:s3+s4], $0x80, s1, s4, $0xb8;
	[tilespmem:$0x18C00] =	vst v63  }
0x186: {  	_ = 	snop  }
0x187: {  	[tilespmem:s11], [sflag:$0x2] =	stream.indirect.gather [hbm4b:s3+s4], $0x80, s30, s4, $0xb8;
	[tilespmem:$0x18C00] =	vst v63  }
0x188: {  	_ = 	snop  }
0x189: {  	[tilespmem:s12], [sflag:$0x2] =	stream.indirect.gather [hbm4b:s3+s4], $0x80, s18, s4, $0xb8;
	[tilespmem:$0x18C00] =	vst v63  }
0x18a: {  	_ =	swait.ge [sflag:s9], $0x4000  }
0x18b: {  	[sflag:s9] =	ssyncset.done $0x0  }
0x18c: {  	[sflag:s9] =	ssyncadd.s32 $0xFFFFC000  }
0x18d: {  	_ =	swait.ge [sflag:s9], $0x4000  }
0x18e: {  	[sflag:s9] =	ssyncset.done $0x0  }
0x18f: {  	[sflag:s9] =	ssyncadd.s32 $0xFFFFC000  }
0x190: {  	_ =	swait.ge [sflag:s9], $0x4000  }
0x191: {  	[sflag:s9] =	ssyncset.done $0x0  }
0x192: {  	s18 =	rddreg [dreg:$0x6];
	[sflag:s9] =	ssyncadd.s32 $0xFFFFC000  }
0x193: {  	[hbm4b:s18+s2] =	stream.linear.scatter [tilespmem:s5], [sflag:$0x4], $0xC000, $0x38;
	[tilespmem:$0x18C00] =	vst v63  }
0x194: {  	_ =	swait.ge [sflag:s8], $0xC000  }
0x195: {  	[sflag:s8] =	ssyncset.done $0x0  }
0x196: {  	[sflag:s8] =	ssyncadd.s32 $0xFFFF4000  }
0x197: {  	[tilespmem:s6], [sflag:$0x1] =	stream.indirect.gather [hbm4b:s3+s4], $0x80, s25, s4, $0xb8;
	[tilespmem:$0x18C00] =	vst v63  }
0x198: {  	_ = 	snop  }
0x199: {  	[tilespmem:s13], [sflag:$0x1] =	stream.indirect.gather [hbm4b:s3+s4], $0x80, s26, s4, $0xb8;
	[tilespmem:$0x18C00] =	vst v63  }
0x19a: {  	_ = 	snop  }
0x19b: {  	[tilespmem:s14], [sflag:$0x1] =	stream.indirect.gather [hbm4b:s3+s4], $0x80, s29, s4, $0xb8;
	[tilespmem:$0x18C00] =	vst v63  }
0x19c: {  	_ =	swait.ge [sflag:s10], $0x4000  }
0x19d: {  	[sflag:s10] =	ssyncset.done $0x0  }
0x19e: {  	[sflag:s10] =	ssyncadd.s32 $0xFFFFC000  }
0x19f: {  	_ =	swait.ge [sflag:s10], $0x4000  }
0x1a0: {  	[sflag:s10] =	ssyncset.done $0x0  }
0x1a1: {  	[sflag:s10] =	ssyncadd.s32 $0xFFFFC000  }
0x1a2: {  	_ =	swait.ge [sflag:s10], $0x4000  }
0x1a3: {  	[sflag:s10] =	ssyncset.done $0x0  }
0x1a4: {  	s26 =	rddreg [dreg:$0x7];
	[sflag:s10] =	ssyncadd.s32 $0xFFFFC000  }
0x1a5: {  	[hbm4b:s26+s2] =	stream.linear.scatter [tilespmem:s6], [sflag:$0x3], $0xC000, $0x38;
	[tilespmem:$0x18C00] =	vst v63  }
0x1a6: {  	_ =	swait.ge [sflag:s7], $0xC000  }
0x1a7: {  	[sflag:s7] =	ssyncset.done $0x0  }
0x1a8: {  	[sflag:s7] =	ssyncadd.s32 $0xFFFF4000  }
0x1a9: {  	[tilespmem:s5], [sflag:$0x2] =	stream.indirect.gather [hbm4b:s3+s4], $0x80, s22, s4, $0xb8;
	[tilespmem:$0x18C00] =	vst v63  }
0x1aa: {  	_ = 	snop  }
0x1ab: {  	[tilespmem:s11], [sflag:$0x2] =	stream.indirect.gather [hbm4b:s3+s4], $0x80, s23, s4, $0xb8;
	[tilespmem:$0x18C00] =	vst v63  }
0x1ac: {  	_ = 	snop  }
0x1ad: {  	[tilespmem:s12], [sflag:$0x2] =	stream.indirect.gather [hbm4b:s3+s4], $0x80, s24, s4, $0xb8;
	[tilespmem:$0x18C00] =	vst v63  }
0x1ae: {  	_ =	swait.ge [sflag:s9], $0x4000  }
0x1af: {  	[sflag:s9] =	ssyncset.done $0x0  }
0x1b0: {  	[sflag:s9] =	ssyncadd.s32 $0xFFFFC000  }
0x1b1: {  	_ =	swait.ge [sflag:s9], $0x4000  }
0x1b2: {  	[sflag:s9] =	ssyncset.done $0x0  }
0x1b3: {  	[sflag:s9] =	ssyncadd.s32 $0xFFFFC000  }
0x1b4: {  	_ =	swait.ge [sflag:s9], $0x4000  }
0x1b5: {  	[sflag:s9] =	ssyncset.done $0x0  }
0x1b6: {  	s28 =	rddreg [dreg:$0x8];
	[sflag:s9] =	ssyncadd.s32 $0xFFFFC000  }
0x1b7: {  	[hbm4b:s28+s2] =	stream.linear.scatter [tilespmem:s5], [sflag:$0x4], $0xC000, $0x38;
	[tilespmem:$0x18C00] =	vst v63  }
0x1b8: {  	_ =	swait.ge [sflag:s8], $0xC000  }
0x1b9: {  	[sflag:s8] =	ssyncset.done $0x0  }
0x1ba: {  	[sflag:s8] =	ssyncadd.s32 $0xFFFF4000  }
0x1bb: {  	[tilespmem:s6], [sflag:$0x1] =	stream.indirect.gather [hbm4b:s3+s4], $0x80, s19, s4, $0xb8;
	[tilespmem:$0x18C00] =	vst v63  }
0x1bc: {  	_ = 	snop  }
0x1bd: {  	[tilespmem:s13], [sflag:$0x1] =	stream.indirect.gather [hbm4b:s3+s4], $0x80, s20, s4, $0xb8;
	[tilespmem:$0x18C00] =	vst v63  }
0x1be: {  	_ = 	snop  }
0x1bf: {  	[tilespmem:s14], [sflag:$0x1] =	stream.indirect.gather [hbm4b:s3+s4], $0x80, s21, s4, $0xb8;
	[tilespmem:$0x18C00] =	vst v63  }
0x1c0: {  	_ =	swait.ge [sflag:s10], $0x4000  }
0x1c1: {  	[sflag:s10] =	ssyncset.done $0x0  }
0x1c2: {  	[sflag:s10] =	ssyncadd.s32 $0xFFFFC000  }
0x1c3: {  	_ =	swait.ge [sflag:s10], $0x4000  }
0x1c4: {  	[sflag:s10] =	ssyncset.done $0x0  }
0x1c5: {  	[sflag:s10] =	ssyncadd.s32 $0xFFFFC000  }
0x1c6: {  	_ =	swait.ge [sflag:s10], $0x4000  }
0x1c7: {  	[sflag:s10] =	ssyncset.done $0x0  }
0x1c8: {  	s29 =	rddreg [dreg:$0x9];
	[sflag:s10] =	ssyncadd.s32 $0xFFFFC000  }
0x1c9: {  	[hbm4b:s29+s2] =	stream.linear.scatter [tilespmem:s6], [sflag:$0x3], $0xC000, $0x38;
	[tilespmem:$0x18C00] =	vst v63  }
0x1ca: {  	_ =	swait.ge [sflag:s7], $0xC000  }
0x1cb: {  	[sflag:s7] =	ssyncset.done $0x0  }
0x1cc: {  	[sflag:s7] =	ssyncadd.s32 $0xFFFF4000  }
0x1cd: {  	[tilespmem:s5], [sflag:$0x2] =	stream.indirect.gather [hbm4b:s3+s4], $0x80, s16, s4, $0xb8;
	[tilespmem:$0x18C00] =	vst v63  }
0x1ce: {  	_ = 	snop  }
0x1cf: {  	[tilespmem:s11], [sflag:$0x2] =	stream.indirect.gather [hbm4b:s3+s4], $0x80, s17, s4, $0xb8;
	[tilespmem:$0x18C00] =	vst v63  }
0x1d0: {  	s30 =	simm.s32 $0xB80  }
0x1d1: {  	[tilespmem:s12], [sflag:$0x2] =	stream.indirect.gather [hbm4b:s3+s4], $0x80, s30, s4, $0xb8;
	[tilespmem:$0x18C00] =	vst v63  }
0x1d2: {  	_ =	swait.ge [sflag:s9], $0x4000  }
0x1d3: {  	[sflag:s9] =	ssyncset.done $0x0  }
0x1d4: {  	[sflag:s9] =	ssyncadd.s32 $0xFFFFC000  }
0x1d5: {  	_ =	swait.ge [sflag:s9], $0x4000  }
0x1d6: {  	[sflag:s9] =	ssyncset.done $0x0  }
0x1d7: {  	[sflag:s9] =	ssyncadd.s32 $0xFFFFC000  }
0x1d8: {  	_ =	swait.ge [sflag:s9], $0x4000  }
0x1d9: {  	[sflag:s9] =	ssyncset.done $0x0  }
0x1da: {  	s31 =	rddreg [dreg:$0xa];
	[sflag:s9] =	ssyncadd.s32 $0xFFFFC000  }
0x1db: {  	[hbm4b:s31+s2] =	stream.linear.scatter [tilespmem:s5], [sflag:$0x4], $0xC000, $0x38;
	[tilespmem:$0x18C00] =	vst v63  }
0x1dc: {  	_ =	swait.ge [sflag:s8], $0xC000  }
0x1dd: {  	[sflag:s8] =	ssyncset.done $0x0  }
0x1de: {  	[sflag:s8] =	ssyncadd.s32 $0xFFFF4000  }
0x1df: {  	_ =	swait.ge [sflag:s7], $0xC000  }
0x1e0: {  	[sflag:s7] =	ssyncset.done $0x0  }
0x1e1: {  	[sflag:s7] =	ssyncadd.s32 $0xFFFF4000  }
0x1e2: {  	_ =	sfence.sel $0x180000  }
0x1e3: {  	[bflag:$0x0] =	sbarrier.arrive $0xFFFF  }
0x1e4: {  	_ =	strace $0x90000047  }
0x1e5: {  	[bflag:$0x2] =	sbarrier.arrive $0xFFFF  }
0x1e6: {  	p0 =	sne.s32 s15, $0x0;
	s0 =	rddreg [dreg:$0x2]  }
0x1e7: {  	s0 =	sadd.s32 @!p0 $0x100000, s0  }
0x1e8: {  	[sflag:s0] =	ssyncadd.tile.s32 @!p0 $0x1;
	_ =	shalt  }
.LBB2_1:
.Ltmp3:
0x1e9: {  	s18 =	simm.s32 $0x580;
	(pc) =	sbr.rel .LBB2_6-.Ltmp3, $4  }
0x1ea: {  	s30 =	simm.s32 $0x500;
	s29 =	simm.s32 $0x700;
	s26 =	simm.s32 $0x680  }
0x1eb: {  	s25 =	simm.s32 $0x600;
	s24 =	simm.s32 $0x880;
	s23 =	simm.s32 $0x800  }
0x1ec: {  	s22 =	simm.s32 $0x780;
	s21 =	simm.s32 $0xA00;
	s20 =	simm.s32 $0x980  }
0x1ed: {  	s19 =	simm.s32 $0x900;
	s17 =	simm.s32 $0xB00;
	s16 =	simm.s32 $0xA80  }
.LBB2_3:
.Ltmp4:
0x1ee: {  	s18 =	simm.s32 $0x580;
	s30 =	simm.s32 $0x500;
	(pc) =	sbr.rel .LBB2_6-.Ltmp4, $4  }
0x1ef: {  	s29 =	simm.s32 $0x700;
	s26 =	simm.s32 $0x680;
	s25 =	simm.s32 $0x600  }
0x1f0: {  	s24 =	simm.s32 $0x880;
	s23 =	simm.s32 $0x800;
	s22 =	simm.s32 $0x780  }
0x1f1: {  	s21 =	simm.s32 $0xA00;
	s20 =	simm.s32 $0x980;
	s19 =	simm.s32 $0x900  }
0x1f2: {  	s17 =	simm.s32 $0xB00;
	s16 =	simm.s32 $0xA80;
	s15 =	stileid.u32  }
.Lfunc_end2:
_tile_overlayer_lowered:
.L_overlay_start_2:
0x1f3: {  	(tag) =	ssettag $0x2  }
0x1f4: {  	s0 =	rddreg [dreg:$0x0];
	s2 =	stileid.u32  }
0x1f5: {  	s1 =	rddreg [dreg:$0x1];
	p0 =	sne.s32 s2, $0x0  }
0x1f6: {  	s3 =	rddreg [dreg:$0x2];
	[bflag:$0x3] =	sbarrier.arrive $0xFFFF;
	s2 =	simm.s32 @!p0 $0x1C05  }
0x1f7: {  	[timem:s3], [sflag:s2] =	dma.local @!p0 [hbm:s0], s1  }
0x1f8: {  	s0 =	simm.s32 @!p0 $0x5  }
0x1f9: {  	_ =	swait.ge @!p0 [sflag:s0], s1  }
0x1fa: {  	s1 =	ssub.s32 @!p0 $0x0, s1;
	[sflag:s0] =	ssyncset.done @!p0 $0x0  }
0x1fb: {  	[sflag:s0] =	ssyncadd.s32 @!p0 s1  }
0x1fc: {  	[bflag:$0x3] =	sbarrier.arrive $0xFFFF  }
0x1fd: {  	_ =	shalt  }

</sc_bundles>
